<compile_context>
chip_gen: v7x
topology: tpu7x:2x2x1
jax: 0.10.2.dev20260603
libtpu: 0.0.44.dev20260713+nightly
codegen_flags: <defaults>
</compile_context>

<pallas_src>
import functools

import jax
import jax.numpy as jnp
import numpy as np
from jax import lax
from jax.experimental import pallas as pl
from jax.experimental.pallas import tpu as pltpu
from jax.experimental.pallas import tpu_sc as plsc

H_IN, W_IN = 480, 854
H_OUT, W_OUT = 800, 1200
NW = 32
RPW = H_IN // NW
WROWS = 24
WSTART_MAX = H_IN - WROWS
NQUAD = 13
TAILC0 = W_IN - 32
TAILC = W_IN - 16
MBUF = 15 * W_IN + 16

_mesh = plsc.VectorSubcoreMesh(core_axis_name="c", subcore_axis_name="s")


@functools.partial(
    pl.kernel,
    out_type=jax.ShapeDtypeStruct((NW * 16,), jnp.float32),
    mesh=_mesh,
    scratch_types=[
        pltpu.VMEM((4, WROWS, W_IN), jnp.float32),
        pltpu.VMEM((MBUF,), jnp.float32),
        pltpu.VMEM((MBUF,), jnp.float32),
        pltpu.VMEM((856,), jnp.float32),
        pltpu.VMEM((856,), jnp.float32),
        pltpu.VMEM((16,), jnp.float32),
        pltpu.SemaphoreType.DMA,
    ],
)
def _sc_any_diff(mask_hbm, colmasks_hbm, out_hbm,
                 raw, mxb, mnb, scv, dcv, accv, sem):
    w = lax.axis_index("s") * 2 + lax.axis_index("c")
    row0 = w * RPW
    ws = jnp.minimum((row0 // 8) * 8, WSTART_MAX)
    lr0 = row0 - ws

    copies = [pltpu.async_copy(
        mask_hbm.at[b, 0, pl.ds(ws, WROWS)], raw.at[b], sem)
        for b in range(4)]
    copies.append(pltpu.async_copy(colmasks_hbm.at[pl.ds(0, 856)], scv, sem))
    copies.append(pltpu.async_copy(colmasks_hbm.at[pl.ds(856, 856)], dcv,
                                   sem))
    for c in copies:
        c.wait()

    zeros16 = jnp.zeros((16,), jnp.float32)

    def init_bound(k, x):
        mxb[pl.ds(k * W_IN, 16)] = zeros16
        mnb[pl.ds(k * W_IN, 16)] = zeros16 + 1.0
        return x

    lax.fori_loop(1, 16, init_bound, 0)

    def rowf(i, x):
        lr = lr0 + i
        mbase = i * W_IN

        def chunkf(cc, acc):
            v0 = raw[0, lr, pl.ds(cc, 16)]
            v1 = raw[1, lr, pl.ds(cc, 16)]
            v2 = raw[2, lr, pl.ds(cc, 16)]
            v3 = raw[3, lr, pl.ds(cc, 16)]
            a = jnp.maximum(jnp.maximum(v0, v1), jnp.maximum(v2, v3))
            b = jnp.minimum(jnp.minimum(v0, v1), jnp.minimum(v2, v3))
            off = mbase + cc
            mxb[pl.ds(off, 16)] = a
            mnb[pl.ds(off, 16)] = b
            a_s = mxb[pl.ds(off + 1, 16)]
            b_s = mnb[pl.ds(off + 1, 16)]
            dcf = dcv[pl.ds(cc, 16)]
            g = jnp.maximum(a - b, 0.0)
            t2 = dcf * jnp.maximum(jnp.maximum(a, a_s) -
                                   jnp.minimum(b, b_s), 0.0)
            return jnp.maximum(acc, g + t2)

        acc = chunkf(TAILC, x)
        acc = chunkf(TAILC0, acc)

        def pair(c, acc):
            cc = (2 * NQUAD - 1 - c) * 32
            for s in (16, 0):
                acc = chunkf(cc + s, acc)
            return acc

        return lax.fori_loop(0, 2 * NQUAD, pair, acc)

    acc = lax.fori_loop(0, RPW, rowf, jnp.zeros((16,), jnp.float32))

    def row2(k, x):
        base = (1 + 3 * k) * W_IN

        def chunk2(cc, acc):
            off = base + cc
            a = mxb[pl.ds(off, 16)]
            b = mnb[pl.ds(off, 16)]
            ad = mxb[pl.ds(off + W_IN, 16)]
            bd = mnb[pl.ds(off + W_IN, 16)]
            a_ds = mxb[pl.ds(off + W_IN + 1, 16)]
            b_ds = mnb[pl.ds(off + W_IN + 1, 16)]
            scf = scv[pl.ds(cc, 16)]
            dcf = dcv[pl.ds(cc, 16)]
            t3 = scf * jnp.maximum(jnp.maximum(a, ad) -
                                   jnp.minimum(b, bd), 0.0)
            t4 = dcf * jnp.maximum(jnp.maximum(a, a_ds) -
                                   jnp.minimum(b, b_ds), 0.0)
            return jnp.maximum(acc, t3 + t4)

        def pair(c, acc):
            cc = c * 32
            for s in (0, 16):
                acc = chunk2(cc + s, acc)
            return acc

        acc = lax.fori_loop(0, 2 * NQUAD, pair, x)
        acc = chunk2(TAILC0, acc)
        return chunk2(TAILC, acc)

    acc = lax.fori_loop(0, 5, row2, acc)
    accv[pl.ds(0, 16)] = acc
    pltpu.sync_copy(accv, out_hbm.at[pl.ds(w * 16, 16)])


def _tc_reduce_body(x_ref, o_ref):
    o_ref[...] = jnp.max(x_ref[...], axis=0, keepdims=True)


_tc_reduce = pl.pallas_call(
    _tc_reduce_body,
    out_shape=jax.ShapeDtypeStruct((1,), jnp.float32),
)


def _col_masks():
    jj = np.arange(W_OUT)
    ctj = (jj * W_IN) // W_OUT
    cpj = np.clip((W_IN * jj + (W_IN // 2)) // W_OUT, 0, W_IN - 1)
    packed = np.zeros(2 * 856, np.float32)
    np.maximum.at(packed[:W_IN], ctj, (cpj == ctj).astype(np.float32))
    np.maximum.at(packed[856:856 + W_IN], ctj,
                  (cpj == ctj + 1).astype(np.float32))
    return packed


_COL_MASKS = _col_masks()


def kernel(mask):
    partial = _sc_any_diff(mask, _COL_MASKS)
    red = _tc_reduce(partial)
    return red[0] > 0.0

# --- scband reference (transcript-rebuilt; emitter-appended) ---
"""Pipeline reference for scband-my-model-61933428409648 (READ-ONLY COPY).

The authoritative reference and input builder live on the scoring server;
editing this copy changes nothing except your own understanding.
"""

import jax, jax.numpy as jnp
import numpy as np

H_IN, W_IN = 480, 854
H_OUT, W_OUT = 800, 1200


def setup_inputs(seed: int = 0) -> dict:
    key = jax.random.key(seed)
    mask = jax.random.uniform(key, (4, 1, H_IN, W_IN), dtype=jnp.float32)
    return {"mask": mask}


def _torch_nearest(mask):
    # F.interpolate(mode='nearest'): src_idx = floor(dst_idx * in/out)
    rows = (jnp.arange(H_OUT) * H_IN) // H_OUT
    cols = (jnp.arange(W_OUT) * W_IN) // W_OUT
    return mask[:, :, rows[:, None], cols[None, :]]


def _pil_nearest(mask):
    B, C = mask.shape[0], mask.shape[1]
    i_grid = jnp.broadcast_to(jnp.arange(H_OUT).reshape(-1, 1), (H_OUT, W_OUT)).astype(jnp.float32)
    j_grid = jnp.broadcast_to(jnp.arange(W_OUT).reshape(1, -1), (H_OUT, W_OUT)).astype(jnp.float32)
    x = (j_grid + 0.5) / W_OUT * W_IN - 0.5
    y = (i_grid + 0.5) / H_OUT * H_IN - 0.5
    jj = jnp.clip(jnp.round(x).astype(jnp.int64), 0, W_IN - 1)
    ii = jnp.clip(jnp.round(y).astype(jnp.int64), 0, H_IN - 1)
    ii = jnp.broadcast_to(ii.reshape(1, 1, H_OUT, W_OUT), (B, C, H_OUT, W_OUT))
    jj = jnp.broadcast_to(jj.reshape(1, 1, H_OUT, W_OUT), (B, C, H_OUT, W_OUT))
    # numpy/jax advanced indexing with adjacent advanced indices matches torch:
    # result shape [B, C, B, C, H_OUT, W_OUT]
    return mask[:, :, ii, jj]


def reference(mask):
    torch_out = _torch_nearest(mask)
    pil_out = _pil_nearest(mask)
    diff = jnp.abs(torch_out - pil_out)  # broadcasts to [B,C,B,C,H_OUT,W_OUT]
    return jnp.any(diff)

if __name__ == "__main__":
    import jax
    _d = setup_inputs()
    print(jax.jit(kernel)(*tuple(_d.values())))

</pallas_src>

<mosaic_0001>
#map = affine_map<(d0, d1) -> (0, 0, 0, 0)>
#map1 = affine_map<(d0, d1) -> (0)>
module attributes {stable_mosaic.version = 14 : i64} {
  func.func @_sc_any_diff(%arg0: i32, %arg1: i32, %arg2: memref<4x1x480x854xf32, #tpu.memory_space<hbm>>, %arg3: memref<1712xf32, #tpu.memory_space<hbm>>, %arg4: memref<512xf32, #tpu.memory_space<hbm>>, %arg5: memref<4x24x854xf32, #tpu.memory_space<vmem>>, %arg6: memref<12826xf32, #tpu.memory_space<vmem>>, %arg7: memref<12826xf32, #tpu.memory_space<vmem>>, %arg8: memref<856xf32, #tpu.memory_space<vmem>>, %arg9: memref<856xf32, #tpu.memory_space<vmem>>, %arg10: memref<16xf32, #tpu.memory_space<vmem>>, %arg11: memref<!tpu.dma_semaphore, #tpu.memory_space<semaphore_mem>>) attributes {dimension_semantics = [#tpu.dimension_semantics<core_parallel>, #tpu.dimension_semantics<subcore_parallel>], iteration_bounds = array<i64: 2, 16>, scalar_prefetch = 0 : i64, scratch_operands = 7 : i64, tpu.core_type = #tpu.core_type<sc_vector_subcore>, window_params = [{transform_indices = #map}, {transform_indices = #map1}, {transform_indices = #map1}]} {
    %mul3A = arith.constant 2 : i32
    %mul3A_0 = arith.muli %arg1, %mul3A : i32
    %add3A = arith.addi %mul3A_0, %arg0 : i32
    %mul3A_1 = arith.constant 15 : i32
    %mul3A_2 = arith.muli %add3A, %mul3A_1 : i32
    %jit3A = arith.constant 8 : i32
    %div3A = arith.divsi %mul3A_2, %jit3A : i32
    %sign3A = arith.constant 0 : i32
    %sign3A_3 = arith.cmpi sgt, %mul3A_2, %sign3A : i32
    %sign3A_4 = arith.extui %sign3A_3 : i1 to i32
    %sign3A_5 = arith.constant 0 : i32
    %sign3A_6 = arith.cmpi slt, %mul3A_2, %sign3A_5 : i32
    %sign3A_7 = arith.extui %sign3A_6 : i1 to i32
    %sign3A_8 = arith.subi %sign3A_4, %sign3A_7 : i32
    %sign3A_9 = arith.constant 0 : i32
    %sign3A_10 = arith.cmpi sgt, %jit3A, %sign3A_9 : i32
    %sign3A_11 = arith.extui %sign3A_10 : i1 to i32
    %sign3A_12 = arith.constant 0 : i32
    %sign3A_13 = arith.cmpi slt, %jit3A, %sign3A_12 : i32
    %sign3A_14 = arith.extui %sign3A_13 : i1 to i32
    %sign3A_15 = arith.subi %sign3A_11, %sign3A_14 : i32
    %ne3A = arith.cmpi ne, %sign3A_8, %sign3A_15 : i32
    %rem3A = arith.remsi %mul3A_2, %jit3A : i32
    %ne3A_16 = arith.constant 0 : i32
    %ne3A_17 = arith.cmpi ne, %rem3A, %ne3A_16 : i32
    %and3A = arith.andi %ne3A, %ne3A_17 : i1
    %sub3A = arith.constant 1 : i32
    %sub3A_18 = arith.subi %div3A, %sub3A : i32
    %select_n3A = arith.select %and3A, %sub3A_18, %div3A : i32
    %mul3A_19 = arith.constant 8 : i32
    %mul3A_20 = arith.muli %select_n3A, %mul3A_19 : i32
    %min3A = arith.constant 456 : i32
    %min3A_21 = arith.minsi %mul3A_20, %min3A : i32
    %sub3A_22 = arith.subi %mul3A_2, %min3A_21 : i32
    %dma_start3A = arith.constant 0 : i32
    %dma_start3A_23 = arith.constant 0 : i32
    %dma_start3A_24 = arith.constant 0 : i32
    %dma_start3A_25 = arith.constant 0 : i32
    %dma_start3A_26 = arith.constant 0 : i32
    %dma_start3A_27 = tpu.memref_slice %arg5[%dma_start3A_24, %dma_start3A_25, %dma_start3A_26] : memref<4x24x854xf32, #tpu.memory_space<vmem>> -> memref<1x24x854xf32, #tpu.memory_space<vmem>>
    %dma_start3A_28 = tpu.memref_squeeze %dma_start3A_27 : memref<1x24x854xf32, #tpu.memory_space<vmem>> -> memref<24x854xf32, #tpu.memory_space<vmem>>
    %dma_start3A_29 = arith.constant 0 : i32
    %dma_start3A_30 = tpu.memref_slice %arg2[%dma_start3A, %dma_start3A_23, %min3A_21, %dma_start3A_29] : memref<4x1x480x854xf32, #tpu.memory_space<hbm>> -> memref<1x1x24x854xf32, #tpu.memory_space<hbm>>
    %dma_start3A_31 = tpu.memref_squeeze %dma_start3A_30 : memref<1x1x24x854xf32, #tpu.memory_space<hbm>> -> memref<24x854xf32, #tpu.memory_space<hbm>>
    %dma_start3A_32 = arith.constant 0 : i32
    %dma_start3A_33 = arith.constant 0 : i32
    %dma_start3A_34 = tpu.memref_slice %arg5[%dma_start3A_24, %dma_start3A_32, %dma_start3A_33] : memref<4x24x854xf32, #tpu.memory_space<vmem>> -> memref<1x24x854xf32, #tpu.memory_space<vmem>>
    %dma_start3A_35 = tpu.memref_squeeze %dma_start3A_34 : memref<1x24x854xf32, #tpu.memory_space<vmem>> -> memref<24x854xf32, #tpu.memory_space<vmem>>
    %dma_start3A_36 = arith.constant 0 : i32
    %dma_start3A_37 = tpu.memref_slice %arg2[%dma_start3A, %dma_start3A_23, %min3A_21, %dma_start3A_36] : memref<4x1x480x854xf32, #tpu.memory_space<hbm>> -> memref<1x1x24x854xf32, #tpu.memory_space<hbm>>
    %dma_start3A_38 = tpu.memref_squeeze %dma_start3A_37 : memref<1x1x24x854xf32, #tpu.memory_space<hbm>> -> memref<24x854xf32, #tpu.memory_space<hbm>>
    tpu.enqueue_dma source(%dma_start3A_38 : memref<24x854xf32, #tpu.memory_space<hbm>>) target(%dma_start3A_35 : memref<24x854xf32, #tpu.memory_space<vmem>>) target_semaphore(%arg11 : memref<!tpu.dma_semaphore, #tpu.memory_space<semaphore_mem>>)
    %dma_start3A_39 = arith.constant 1 : i32
    %dma_start3A_40 = arith.constant 0 : i32
    %dma_start3A_41 = arith.constant 1 : i32
    %dma_start3A_42 = arith.constant 0 : i32
    %dma_start3A_43 = arith.constant 0 : i32
    %dma_start3A_44 = tpu.memref_slice %arg5[%dma_start3A_41, %dma_start3A_42, %dma_start3A_43] : memref<4x24x854xf32, #tpu.memory_space<vmem>> -> memref<1x24x854xf32, #tpu.memory_space<vmem>>
    %dma_start3A_45 = tpu.memref_squeeze %dma_start3A_44 : memref<1x24x854xf32, #tpu.memory_space<vmem>> -> memref<24x854xf32, #tpu.memory_space<vmem>>
    %dma_start3A_46 = arith.constant 0 : i32
    %dma_start3A_47 = tpu.memref_slice %arg2[%dma_start3A_39, %dma_start3A_40, %min3A_21, %dma_start3A_46] : memref<4x1x480x854xf32, #tpu.memory_space<hbm>> -> memref<1x1x24x854xf32, #tpu.memory_space<hbm>>
    %dma_start3A_48 = tpu.memref_squeeze %dma_start3A_47 : memref<1x1x24x854xf32, #tpu.memory_space<hbm>> -> memref<24x854xf32, #tpu.memory_space<hbm>>
    %dma_start3A_49 = arith.constant 0 : i32
    %dma_start3A_50 = arith.constant 0 : i32
    %dma_start3A_51 = tpu.memref_slice %arg5[%dma_start3A_41, %dma_start3A_49, %dma_start3A_50] : memref<4x24x854xf32, #tpu.memory_space<vmem>> -> memref<1x24x854xf32, #tpu.memory_space<vmem>>
    %dma_start3A_52 = tpu.memref_squeeze %dma_start3A_51 : memref<1x24x854xf32, #tpu.memory_space<vmem>> -> memref<24x854xf32, #tpu.memory_space<vmem>>
    %dma_start3A_53 = arith.constant 0 : i32
    %dma_start3A_54 = tpu.memref_slice %arg2[%dma_start3A_39, %dma_start3A_40, %min3A_21, %dma_start3A_53] : memref<4x1x480x854xf32, #tpu.memory_space<hbm>> -> memref<1x1x24x854xf32, #tpu.memory_space<hbm>>
    %dma_start3A_55 = tpu.memref_squeeze %dma_start3A_54 : memref<1x1x24x854xf32, #tpu.memory_space<hbm>> -> memref<24x854xf32, #tpu.memory_space<hbm>>
    tpu.enqueue_dma source(%dma_start3A_55 : memref<24x854xf32, #tpu.memory_space<hbm>>) target(%dma_start3A_52 : memref<24x854xf32, #tpu.memory_space<vmem>>) target_semaphore(%arg11 : memref<!tpu.dma_semaphore, #tpu.memory_space<semaphore_mem>>)
    %dma_start3A_56 = arith.constant 2 : i32
    %dma_start3A_57 = arith.constant 0 : i32
    %dma_start3A_58 = arith.constant 2 : i32
    %dma_start3A_59 = arith.constant 0 : i32
    %dma_start3A_60 = arith.constant 0 : i32
    %dma_start3A_61 = tpu.memref_slice %arg5[%dma_start3A_58, %dma_start3A_59, %dma_start3A_60] : memref<4x24x854xf32, #tpu.memory_space<vmem>> -> memref<1x24x854xf32, #tpu.memory_space<vmem>>
    %dma_start3A_62 = tpu.memref_squeeze %dma_start3A_61 : memref<1x24x854xf32, #tpu.memory_space<vmem>> -> memref<24x854xf32, #tpu.memory_space<vmem>>
    %dma_start3A_63 = arith.constant 0 : i32
    %dma_start3A_64 = tpu.memref_slice %arg2[%dma_start3A_56, %dma_start3A_57, %min3A_21, %dma_start3A_63] : memref<4x1x480x854xf32, #tpu.memory_space<hbm>> -> memref<1x1x24x854xf32, #tpu.memory_space<hbm>>
    %dma_start3A_65 = tpu.memref_squeeze %dma_start3A_64 : memref<1x1x24x854xf32, #tpu.memory_space<hbm>> -> memref<24x854xf32, #tpu.memory_space<hbm>>
    %dma_start3A_66 = arith.constant 0 : i32
    %dma_start3A_67 = arith.constant 0 : i32
    %dma_start3A_68 = tpu.memref_slice %arg5[%dma_start3A_58, %dma_start3A_66, %dma_start3A_67] : memref<4x24x854xf32, #tpu.memory_space<vmem>> -> memref<1x24x854xf32, #tpu.memory_space<vmem>>
    %dma_start3A_69 = tpu.memref_squeeze %dma_start3A_68 : memref<1x24x854xf32, #tpu.memory_space<vmem>> -> memref<24x854xf32, #tpu.memory_space<vmem>>
    %dma_start3A_70 = arith.constant 0 : i32
    %dma_start3A_71 = tpu.memref_slice %arg2[%dma_start3A_56, %dma_start3A_57, %min3A_21, %dma_start3A_70] : memref<4x1x480x854xf32, #tpu.memory_space<hbm>> -> memref<1x1x24x854xf32, #tpu.memory_space<hbm>>
    %dma_start3A_72 = tpu.memref_squeeze %dma_start3A_71 : memref<1x1x24x854xf32, #tpu.memory_space<hbm>> -> memref<24x854xf32, #tpu.memory_space<hbm>>
    tpu.enqueue_dma source(%dma_start3A_72 : memref<24x854xf32, #tpu.memory_space<hbm>>) target(%dma_start3A_69 : memref<24x854xf32, #tpu.memory_space<vmem>>) target_semaphore(%arg11 : memref<!tpu.dma_semaphore, #tpu.memory_space<semaphore_mem>>)
    %dma_start3A_73 = arith.constant 3 : i32
    %dma_start3A_74 = arith.constant 0 : i32
    %dma_start3A_75 = arith.constant 3 : i32
    %dma_start3A_76 = arith.constant 0 : i32
    %dma_start3A_77 = arith.constant 0 : i32
    %dma_start3A_78 = tpu.memref_slice %arg5[%dma_start3A_75, %dma_start3A_76, %dma_start3A_77] : memref<4x24x854xf32, #tpu.memory_space<vmem>> -> memref<1x24x854xf32, #tpu.memory_space<vmem>>
    %dma_start3A_79 = tpu.memref_squeeze %dma_start3A_78 : memref<1x24x854xf32, #tpu.memory_space<vmem>> -> memref<24x854xf32, #tpu.memory_space<vmem>>
    %dma_start3A_80 = arith.constant 0 : i32
    %dma_start3A_81 = tpu.memref_slice %arg2[%dma_start3A_73, %dma_start3A_74, %min3A_21, %dma_start3A_80] : memref<4x1x480x854xf32, #tpu.memory_space<hbm>> -> memref<1x1x24x854xf32, #tpu.memory_space<hbm>>
    %dma_start3A_82 = tpu.memref_squeeze %dma_start3A_81 : memref<1x1x24x854xf32, #tpu.memory_space<hbm>> -> memref<24x854xf32, #tpu.memory_space<hbm>>
    %dma_start3A_83 = arith.constant 0 : i32
    %dma_start3A_84 = arith.constant 0 : i32
    %dma_start3A_85 = tpu.memref_slice %arg5[%dma_start3A_75, %dma_start3A_83, %dma_start3A_84] : memref<4x24x854xf32, #tpu.memory_space<vmem>> -> memref<1x24x854xf32, #tpu.memory_space<vmem>>
    %dma_start3A_86 = tpu.memref_squeeze %dma_start3A_85 : memref<1x24x854xf32, #tpu.memory_space<vmem>> -> memref<24x854xf32, #tpu.memory_space<vmem>>
    %dma_start3A_87 = arith.constant 0 : i32
    %dma_start3A_88 = tpu.memref_slice %arg2[%dma_start3A_73, %dma_start3A_74, %min3A_21, %dma_start3A_87] : memref<4x1x480x854xf32, #tpu.memory_space<hbm>> -> memref<1x1x24x854xf32, #tpu.memory_space<hbm>>
    %dma_start3A_89 = tpu.memref_squeeze %dma_start3A_88 : memref<1x1x24x854xf32, #tpu.memory_space<hbm>> -> memref<24x854xf32, #tpu.memory_space<hbm>>
    tpu.enqueue_dma source(%dma_start3A_89 : memref<24x854xf32, #tpu.memory_space<hbm>>) target(%dma_start3A_86 : memref<24x854xf32, #tpu.memory_space<vmem>>) target_semaphore(%arg11 : memref<!tpu.dma_semaphore, #tpu.memory_space<semaphore_mem>>)
    %dma_start3A_90 = arith.constant 0 : i32
    %dma_start3A_91 = tpu.memref_slice %arg3[%dma_start3A_90] : memref<1712xf32, #tpu.memory_space<hbm>> -> memref<856xf32, #tpu.memory_space<hbm>>
    %dma_start3A_92 = arith.constant 0 : i32
    %dma_start3A_93 = tpu.memref_slice %arg3[%dma_start3A_92] : memref<1712xf32, #tpu.memory_space<hbm>> -> memref<856xf32, #tpu.memory_space<hbm>>
    tpu.enqueue_dma source(%dma_start3A_93 : memref<856xf32, #tpu.memory_space<hbm>>) target(%arg8 : memref<856xf32, #tpu.memory_space<vmem>>) target_semaphore(%arg11 : memref<!tpu.dma_semaphore, #tpu.memory_space<semaphore_mem>>)
    %dma_start3A_94 = arith.constant 856 : i32
    %dma_start3A_95 = tpu.memref_slice %arg3[%dma_start3A_94] : memref<1712xf32, #tpu.memory_space<hbm>> -> memref<856xf32, #tpu.memory_space<hbm>>
    %dma_start3A_96 = arith.constant 856 : i32
    %dma_start3A_97 = tpu.memref_slice %arg3[%dma_start3A_96] : memref<1712xf32, #tpu.memory_space<hbm>> -> memref<856xf32, #tpu.memory_space<hbm>>
    tpu.enqueue_dma source(%dma_start3A_97 : memref<856xf32, #tpu.memory_space<hbm>>) target(%arg9 : memref<856xf32, #tpu.memory_space<vmem>>) target_semaphore(%arg11 : memref<!tpu.dma_semaphore, #tpu.memory_space<semaphore_mem>>)
    %dma_wait3A = arith.constant 0 : i32
    %dma_wait3A_98 = arith.constant 0 : i32
    %dma_wait3A_99 = arith.constant 0 : i32
    %dma_wait3A_100 = arith.constant 0 : i32
    %dma_wait3A_101 = arith.constant 0 : i32
    %dma_wait3A_102 = tpu.memref_slice %arg5[%dma_wait3A_99, %dma_wait3A_100, %dma_wait3A_101] : memref<4x24x854xf32, #tpu.memory_space<vmem>> -> memref<1x24x854xf32, #tpu.memory_space<vmem>>
    %dma_wait3A_103 = tpu.memref_squeeze %dma_wait3A_102 : memref<1x24x854xf32, #tpu.memory_space<vmem>> -> memref<24x854xf32, #tpu.memory_space<vmem>>
    %dma_wait3A_104 = arith.constant 0 : i32
    %dma_wait3A_105 = tpu.memref_slice %arg2[%dma_wait3A, %dma_wait3A_98, %min3A_21, %dma_wait3A_104] : memref<4x1x480x854xf32, #tpu.memory_space<hbm>> -> memref<1x1x24x854xf32, #tpu.memory_space<hbm>>
    %dma_wait3A_106 = tpu.memref_squeeze %dma_wait3A_105 : memref<1x1x24x854xf32, #tpu.memory_space<hbm>> -> memref<24x854xf32, #tpu.memory_space<hbm>>
    %dma_wait3A_107 = arith.constant 0 : i32
    %dma_wait3A_108 = arith.constant 0 : i32
    %dma_wait3A_109 = tpu.memref_slice %arg5[%dma_wait3A_99, %dma_wait3A_107, %dma_wait3A_108] : memref<4x24x854xf32, #tpu.memory_space<vmem>> -> memref<1x24x854xf32, #tpu.memory_space<vmem>>
    %dma_wait3A_110 = tpu.memref_squeeze %dma_wait3A_109 : memref<1x24x854xf32, #tpu.memory_space<vmem>> -> memref<24x854xf32, #tpu.memory_space<vmem>>
    %dma_wait3A_111 = arith.constant 0 : i32
    %dma_wait3A_112 = tpu.memref_slice %arg2[%dma_wait3A, %dma_wait3A_98, %min3A_21, %dma_wait3A_111] : memref<4x1x480x854xf32, #tpu.memory_space<hbm>> -> memref<1x1x24x854xf32, #tpu.memory_space<hbm>>
    %dma_wait3A_113 = tpu.memref_squeeze %dma_wait3A_112 : memref<1x1x24x854xf32, #tpu.memory_space<hbm>> -> memref<24x854xf32, #tpu.memory_space<hbm>>
    tpu.wait_dma2 semaphore(%arg11 : memref<!tpu.dma_semaphore, #tpu.memory_space<semaphore_mem>>) src(%dma_wait3A_113 : memref<24x854xf32, #tpu.memory_space<hbm>>) dst(%dma_wait3A_110 : memref<24x854xf32, #tpu.memory_space<vmem>>)
    %dma_wait3A_114 = arith.constant 1 : i32
    %dma_wait3A_115 = arith.constant 0 : i32
    %dma_wait3A_116 = arith.constant 1 : i32
    %dma_wait3A_117 = arith.constant 0 : i32
    %dma_wait3A_118 = arith.constant 0 : i32
    %dma_wait3A_119 = tpu.memref_slice %arg5[%dma_wait3A_116, %dma_wait3A_117, %dma_wait3A_118] : memref<4x24x854xf32, #tpu.memory_space<vmem>> -> memref<1x24x854xf32, #tpu.memory_space<vmem>>
    %dma_wait3A_120 = tpu.memref_squeeze %dma_wait3A_119 : memref<1x24x854xf32, #tpu.memory_space<vmem>> -> memref<24x854xf32, #tpu.memory_space<vmem>>
    %dma_wait3A_121 = arith.constant 0 : i32
    %dma_wait3A_122 = tpu.memref_slice %arg2[%dma_wait3A_114, %dma_wait3A_115, %min3A_21, %dma_wait3A_121] : memref<4x1x480x854xf32, #tpu.memory_space<hbm>> -> memref<1x1x24x854xf32, #tpu.memory_space<hbm>>
    %dma_wait3A_123 = tpu.memref_squeeze %dma_wait3A_122 : memref<1x1x24x854xf32, #tpu.memory_space<hbm>> -> memref<24x854xf32, #tpu.memory_space<hbm>>
    %dma_wait3A_124 = arith.constant 0 : i32
    %dma_wait3A_125 = arith.constant 0 : i32
    %dma_wait3A_126 = tpu.memref_slice %arg5[%dma_wait3A_116, %dma_wait3A_124, %dma_wait3A_125] : memref<4x24x854xf32, #tpu.memory_space<vmem>> -> memref<1x24x854xf32, #tpu.memory_space<vmem>>
    %dma_wait3A_127 = tpu.memref_squeeze %dma_wait3A_126 : memref<1x24x854xf32, #tpu.memory_space<vmem>> -> memref<24x854xf32, #tpu.memory_space<vmem>>
    %dma_wait3A_128 = arith.constant 0 : i32
    %dma_wait3A_129 = tpu.memref_slice %arg2[%dma_wait3A_114, %dma_wait3A_115, %min3A_21, %dma_wait3A_128] : memref<4x1x480x854xf32, #tpu.memory_space<hbm>> -> memref<1x1x24x854xf32, #tpu.memory_space<hbm>>
    %dma_wait3A_130 = tpu.memref_squeeze %dma_wait3A_129 : memref<1x1x24x854xf32, #tpu.memory_space<hbm>> -> memref<24x854xf32, #tpu.memory_space<hbm>>
    tpu.wait_dma2 semaphore(%arg11 : memref<!tpu.dma_semaphore, #tpu.memory_space<semaphore_mem>>) src(%dma_wait3A_130 : memref<24x854xf32, #tpu.memory_space<hbm>>) dst(%dma_wait3A_127 : memref<24x854xf32, #tpu.memory_space<vmem>>)
    %dma_wait3A_131 = arith.constant 2 : i32
    %dma_wait3A_132 = arith.constant 0 : i32
    %dma_wait3A_133 = arith.constant 2 : i32
    %dma_wait3A_134 = arith.constant 0 : i32
    %dma_wait3A_135 = arith.constant 0 : i32
    %dma_wait3A_136 = tpu.memref_slice %arg5[%dma_wait3A_133, %dma_wait3A_134, %dma_wait3A_135] : memref<4x24x854xf32, #tpu.memory_space<vmem>> -> memref<1x24x854xf32, #tpu.memory_space<vmem>>
    %dma_wait3A_137 = tpu.memref_squeeze %dma_wait3A_136 : memref<1x24x854xf32, #tpu.memory_space<vmem>> -> memref<24x854xf32, #tpu.memory_space<vmem>>
    %dma_wait3A_138 = arith.constant 0 : i32
    %dma_wait3A_139 = tpu.memref_slice %arg2[%dma_wait3A_131, %dma_wait3A_132, %min3A_21, %dma_wait3A_138] : memref<4x1x480x854xf32, #tpu.memory_space<hbm>> -> memref<1x1x24x854xf32, #tpu.memory_space<hbm>>
    %dma_wait3A_140 = tpu.memref_squeeze %dma_wait3A_139 : memref<1x1x24x854xf32, #tpu.memory_space<hbm>> -> memref<24x854xf32, #tpu.memory_space<hbm>>
    %dma_wait3A_141 = arith.constant 0 : i32
    %dma_wait3A_142 = arith.constant 0 : i32
    %dma_wait3A_143 = tpu.memref_slice %arg5[%dma_wait3A_133, %dma_wait3A_141, %dma_wait3A_142] : memref<4x24x854xf32, #tpu.memory_space<vmem>> -> memref<1x24x854xf32, #tpu.memory_space<vmem>>
    %dma_wait3A_144 = tpu.memref_squeeze %dma_wait3A_143 : memref<1x24x854xf32, #tpu.memory_space<vmem>> -> memref<24x854xf32, #tpu.memory_space<vmem>>
    %dma_wait3A_145 = arith.constant 0 : i32
    %dma_wait3A_146 = tpu.memref_slice %arg2[%dma_wait3A_131, %dma_wait3A_132, %min3A_21, %dma_wait3A_145] : memref<4x1x480x854xf32, #tpu.memory_space<hbm>> -> memref<1x1x24x854xf32, #tpu.memory_space<hbm>>
    %dma_wait3A_147 = tpu.memref_squeeze %dma_wait3A_146 : memref<1x1x24x854xf32, #tpu.memory_space<hbm>> -> memref<24x854xf32, #tpu.memory_space<hbm>>
    tpu.wait_dma2 semaphore(%arg11 : memref<!tpu.dma_semaphore, #tpu.memory_space<semaphore_mem>>) src(%dma_wait3A_147 : memref<24x854xf32, #tpu.memory_space<hbm>>) dst(%dma_wait3A_144 : memref<24x854xf32, #tpu.memory_space<vmem>>)
    %dma_wait3A_148 = arith.constant 3 : i32
    %dma_wait3A_149 = arith.constant 0 : i32
    %dma_wait3A_150 = arith.constant 3 : i32
    %dma_wait3A_151 = arith.constant 0 : i32
    %dma_wait3A_152 = arith.constant 0 : i32
    %dma_wait3A_153 = tpu.memref_slice %arg5[%dma_wait3A_150, %dma_wait3A_151, %dma_wait3A_152] : memref<4x24x854xf32, #tpu.memory_space<vmem>> -> memref<1x24x854xf32, #tpu.memory_space<vmem>>
    %dma_wait3A_154 = tpu.memref_squeeze %dma_wait3A_153 : memref<1x24x854xf32, #tpu.memory_space<vmem>> -> memref<24x854xf32, #tpu.memory_space<vmem>>
    %dma_wait3A_155 = arith.constant 0 : i32
    %dma_wait3A_156 = tpu.memref_slice %arg2[%dma_wait3A_148, %dma_wait3A_149, %min3A_21, %dma_wait3A_155] : memref<4x1x480x854xf32, #tpu.memory_space<hbm>> -> memref<1x1x24x854xf32, #tpu.memory_space<hbm>>
    %dma_wait3A_157 = tpu.memref_squeeze %dma_wait3A_156 : memref<1x1x24x854xf32, #tpu.memory_space<hbm>> -> memref<24x854xf32, #tpu.memory_space<hbm>>
    %dma_wait3A_158 = arith.constant 0 : i32
    %dma_wait3A_159 = arith.constant 0 : i32
    %dma_wait3A_160 = tpu.memref_slice %arg5[%dma_wait3A_150, %dma_wait3A_158, %dma_wait3A_159] : memref<4x24x854xf32, #tpu.memory_space<vmem>> -> memref<1x24x854xf32, #tpu.memory_space<vmem>>
    %dma_wait3A_161 = tpu.memref_squeeze %dma_wait3A_160 : memref<1x24x854xf32, #tpu.memory_space<vmem>> -> memref<24x854xf32, #tpu.memory_space<vmem>>
    %dma_wait3A_162 = arith.constant 0 : i32
    %dma_wait3A_163 = tpu.memref_slice %arg2[%dma_wait3A_148, %dma_wait3A_149, %min3A_21, %dma_wait3A_162] : memref<4x1x480x854xf32, #tpu.memory_space<hbm>> -> memref<1x1x24x854xf32, #tpu.memory_space<hbm>>
    %dma_wait3A_164 = tpu.memref_squeeze %dma_wait3A_163 : memref<1x1x24x854xf32, #tpu.memory_space<hbm>> -> memref<24x854xf32, #tpu.memory_space<hbm>>
    tpu.wait_dma2 semaphore(%arg11 : memref<!tpu.dma_semaphore, #tpu.memory_space<semaphore_mem>>) src(%dma_wait3A_164 : memref<24x854xf32, #tpu.memory_space<hbm>>) dst(%dma_wait3A_161 : memref<24x854xf32, #tpu.memory_space<vmem>>)
    %dma_wait3A_165 = arith.constant 0 : i32
    %dma_wait3A_166 = tpu.memref_slice %arg3[%dma_wait3A_165] : memref<1712xf32, #tpu.memory_space<hbm>> -> memref<856xf32, #tpu.memory_space<hbm>>
    %dma_wait3A_167 = arith.constant 0 : i32
    %dma_wait3A_168 = tpu.memref_slice %arg3[%dma_wait3A_167] : memref<1712xf32, #tpu.memory_space<hbm>> -> memref<856xf32, #tpu.memory_space<hbm>>
    tpu.wait_dma2 semaphore(%arg11 : memref<!tpu.dma_semaphore, #tpu.memory_space<semaphore_mem>>) src(%dma_wait3A_168 : memref<856xf32, #tpu.memory_space<hbm>>) dst(%arg8 : memref<856xf32, #tpu.memory_space<vmem>>)
    %dma_wait3A_169 = arith.constant 856 : i32
    %dma_wait3A_170 = tpu.memref_slice %arg3[%dma_wait3A_169] : memref<1712xf32, #tpu.memory_space<hbm>> -> memref<856xf32, #tpu.memory_space<hbm>>
    %dma_wait3A_171 = arith.constant 856 : i32
    %dma_wait3A_172 = tpu.memref_slice %arg3[%dma_wait3A_171] : memref<1712xf32, #tpu.memory_space<hbm>> -> memref<856xf32, #tpu.memory_space<hbm>>
    tpu.wait_dma2 semaphore(%arg11 : memref<!tpu.dma_semaphore, #tpu.memory_space<semaphore_mem>>) src(%dma_wait3A_172 : memref<856xf32, #tpu.memory_space<hbm>>) dst(%arg9 : memref<856xf32, #tpu.memory_space<vmem>>)
    %broadcast_in_dim3A = arith.constant 0.000000e+00 : f32
    %broadcast_in_dim3A_173 = vector.broadcast %broadcast_in_dim3A : f32 to vector<16xf32>
    %scan3A = arith.constant 0 : i32
    %scan3A_174 = arith.constant 1 : i32
    %scan3A_175 = arith.constant 15 : i32
    %scan3A_176 = arith.addi %scan3A_174, %scan3A_175 : i32
    %scan3A_177 = arith.constant 1 : i32
    scf.for %scan3A_198 = %scan3A_174 to %scan3A_176 step %scan3A_177  : i32 {
      %mul3A_199 = arith.constant 854 : i32
      %mul3A_200 = arith.muli %scan3A_198, %mul3A_199 : i32
      %swap3A_201 = arith.index_cast %mul3A_200 : i32 to index
      %swap3A_202 = tpu.vector_load %arg6[%swap3A_201] {strides = array<i32>} : memref<12826xf32, #tpu.memory_space<vmem>>, vector<16xf32>,
      %swap3A_203 = vector.shape_cast %swap3A_202 : vector<16xf32> to vector<16xf32>
      %swap3A_204 = vector.shape_cast %broadcast_in_dim3A_173 : vector<16xf32> to vector<16xf32>
      tpu.vector_store %arg6[%swap3A_201], %swap3A_204 {strides = array<i32>} : memref<12826xf32, #tpu.memory_space<vmem>>, vector<16xf32>,
      %add3A_205 = arith.constant 1.000000e+00 : f32
      %add3A_206 = vector.broadcast %add3A_205 : f32 to vector<16xf32>
      %add3A_207 = arith.addf %broadcast_in_dim3A_173, %add3A_206 : vector<16xf32>
      %mul3A_208 = arith.constant 854 : i32
      %mul3A_209 = arith.muli %scan3A_198, %mul3A_208 : i32
      %swap3A_210 = arith.index_cast %mul3A_209 : i32 to index
      %swap3A_211 = tpu.vector_load %arg7[%swap3A_210] {strides = array<i32>} : memref<12826xf32, #tpu.memory_space<vmem>>, vector<16xf32>,
      %swap3A_212 = vector.shape_cast %swap3A_211 : vector<16xf32> to vector<16xf32>
      %swap3A_213 = vector.shape_cast %add3A_207 : vector<16xf32> to vector<16xf32>
      tpu.vector_store %arg7[%swap3A_210], %swap3A_213 {strides = array<i32>} : memref<12826xf32, #tpu.memory_space<vmem>>, vector<16xf32>,
    }
    %scan3A_178 = arith.constant 15 : i32
    %broadcast_in_dim3A_179 = arith.constant 0.000000e+00 : f32
    %broadcast_in_dim3A_180 = vector.broadcast %broadcast_in_dim3A_179 : f32 to vector<16xf32>
    %scan3A_181 = arith.constant 0 : i32
    %scan3A_182 = arith.constant 15 : i32
    %scan3A_183 = arith.addi %scan3A_181, %scan3A_182 : i32
    %scan3A_184 = arith.constant 1 : i32
    %scan3A_185 = scf.for %scan3A_198 = %scan3A_181 to %scan3A_183 step %scan3A_184 iter_args(%scan3A_199 = %broadcast_in_dim3A_180) -> (vector<16xf32>)  : i32 {
      %add3A_200 = arith.addi %sub3A_22, %scan3A_198 : i32
      %mul3A_201 = arith.constant 854 : i32
      %mul3A_202 = arith.muli %scan3A_198, %mul3A_201 : i32
      %get3A = arith.constant 0 : i32
      %get3A_203 = arith.index_cast %get3A : i32 to index
      %get3A_204 = arith.index_cast %add3A_200 : i32 to index
      %get3A_205 = arith.constant 838 : index
      %get3A_206 = tpu.vector_load %arg5[%get3A_203, %get3A_204, %get3A_205] {strides = array<i32>} : memref<4x24x854xf32, #tpu.memory_space<vmem>>, vector<1x1x16xf32>,
      %get3A_207 = vector.shape_cast %get3A_206 : vector<1x1x16xf32> to vector<16xf32>
      %get3A_208 = arith.constant 1 : i32
      %get3A_209 = arith.index_cast %get3A_208 : i32 to index
      %get3A_210 = arith.index_cast %add3A_200 : i32 to index
      %get3A_211 = arith.constant 838 : index
      %get3A_212 = tpu.vector_load %arg5[%get3A_209, %get3A_210, %get3A_211] {strides = array<i32>} : memref<4x24x854xf32, #tpu.memory_space<vmem>>, vector<1x1x16xf32>,
      %get3A_213 = vector.shape_cast %get3A_212 : vector<1x1x16xf32> to vector<16xf32>
      %get3A_214 = arith.constant 2 : i32
      %get3A_215 = arith.index_cast %get3A_214 : i32 to index
      %get3A_216 = arith.index_cast %add3A_200 : i32 to index
      %get3A_217 = arith.constant 838 : index
      %get3A_218 = tpu.vector_load %arg5[%get3A_215, %get3A_216, %get3A_217] {strides = array<i32>} : memref<4x24x854xf32, #tpu.memory_space<vmem>>, vector<1x1x16xf32>,
      %get3A_219 = vector.shape_cast %get3A_218 : vector<1x1x16xf32> to vector<16xf32>
      %get3A_220 = arith.constant 3 : i32
      %get3A_221 = arith.index_cast %get3A_220 : i32 to index
      %get3A_222 = arith.index_cast %add3A_200 : i32 to index
      %get3A_223 = arith.constant 838 : index
      %get3A_224 = tpu.vector_load %arg5[%get3A_221, %get3A_222, %get3A_223] {strides = array<i32>} : memref<4x24x854xf32, #tpu.memory_space<vmem>>, vector<1x1x16xf32>,
      %get3A_225 = vector.shape_cast %get3A_224 : vector<1x1x16xf32> to vector<16xf32>
      %max3A = arith.maximumf %get3A_207, %get3A_213 : vector<16xf32>
      %max3A_226 = arith.maximumf %get3A_219, %get3A_225 : vector<16xf32>
      %max3A_227 = arith.maximumf %max3A, %max3A_226 : vector<16xf32>
      %min3A_228 = arith.minimumf %get3A_207, %get3A_213 : vector<16xf32>
      %min3A_229 = arith.minimumf %get3A_219, %get3A_225 : vector<16xf32>
      %min3A_230 = arith.minimumf %min3A_228, %min3A_229 : vector<16xf32>
      %add3A_231 = arith.constant 838 : i32
      %add3A_232 = arith.addi %mul3A_202, %add3A_231 : i32
      %swap3A_233 = arith.index_cast %add3A_232 : i32 to index
      %swap3A_234 = tpu.vector_load %arg6[%swap3A_233] {strides = array<i32>} : memref<12826xf32, #tpu.memory_space<vmem>>, vector<16xf32>,
      %swap3A_235 = vector.shape_cast %swap3A_234 : vector<16xf32> to vector<16xf32>
      %swap3A_236 = vector.shape_cast %max3A_227 : vector<16xf32> to vector<16xf32>
      tpu.vector_store %arg6[%swap3A_233], %swap3A_236 {strides = array<i32>} : memref<12826xf32, #tpu.memory_space<vmem>>, vector<16xf32>,
      %swap3A_237 = arith.index_cast %add3A_232 : i32 to index
      %swap3A_238 = tpu.vector_load %arg7[%swap3A_237] {strides = array<i32>} : memref<12826xf32, #tpu.memory_space<vmem>>, vector<16xf32>,
      %swap3A_239 = vector.shape_cast %swap3A_238 : vector<16xf32> to vector<16xf32>
      %swap3A_240 = vector.shape_cast %min3A_230 : vector<16xf32> to vector<16xf32>
      tpu.vector_store %arg7[%swap3A_237], %swap3A_240 {strides = array<i32>} : memref<12826xf32, #tpu.memory_space<vmem>>, vector<16xf32>,
      %add3A_241 = arith.constant 1 : i32
      %add3A_242 = arith.addi %add3A_232, %add3A_241 : i32
      %get3A_243 = arith.index_cast %add3A_242 : i32 to index
      %get3A_244 = tpu.vector_load %arg6[%get3A_243] {strides = array<i32>} : memref<12826xf32, #tpu.memory_space<vmem>>, vector<16xf32>,
      %get3A_245 = vector.shape_cast %get3A_244 : vector<16xf32> to vector<16xf32>
      %add3A_246 = arith.constant 1 : i32
      %add3A_247 = arith.addi %add3A_232, %add3A_246 : i32
      %get3A_248 = arith.index_cast %add3A_247 : i32 to index
      %get3A_249 = tpu.vector_load %arg7[%get3A_248] {strides = array<i32>} : memref<12826xf32, #tpu.memory_space<vmem>>, vector<16xf32>,
      %get3A_250 = vector.shape_cast %get3A_249 : vector<16xf32> to vector<16xf32>
      %get3A_251 = arith.constant 838 : index
      %get3A_252 = tpu.vector_load %arg9[%get3A_251] {strides = array<i32>} : memref<856xf32, #tpu.memory_space<vmem>>, vector<16xf32>,
      %get3A_253 = vector.shape_cast %get3A_252 : vector<16xf32> to vector<16xf32>
      %sub3A_254 = arith.subf %max3A_227, %min3A_230 : vector<16xf32>
      %max3A_255 = arith.constant 0.000000e+00 : f32
      %max3A_256 = vector.broadcast %max3A_255 : f32 to vector<16xf32>
      %max3A_257 = arith.maximumf %sub3A_254, %max3A_256 : vector<16xf32>
      %max3A_258 = arith.maximumf %max3A_227, %get3A_245 : vector<16xf32>
      %min3A_259 = arith.minimumf %min3A_230, %get3A_250 : vector<16xf32>
      %sub3A_260 = arith.subf %max3A_258, %min3A_259 : vector<16xf32>
      %max3A_261 = arith.constant 0.000000e+00 : f32
      %max3A_262 = vector.broadcast %max3A_261 : f32 to vector<16xf32>
      %max3A_263 = arith.maximumf %sub3A_260, %max3A_262 : vector<16xf32>
      %mul3A_264 = arith.mulf %get3A_253, %max3A_263 : vector<16xf32>
      %add3A_265 = arith.addf %max3A_257, %mul3A_264 : vector<16xf32>
      %max3A_266 = arith.maximumf %scan3A_199, %add3A_265 : vector<16xf32>
      %get3A_267 = arith.constant 0 : i32
      %get3A_268 = arith.index_cast %get3A_267 : i32 to index
      %get3A_269 = arith.index_cast %add3A_200 : i32 to index
      %get3A_270 = arith.constant 822 : index
      %get3A_271 = tpu.vector_load %arg5[%get3A_268, %get3A_269, %get3A_270] {strides = array<i32>} : memref<4x24x854xf32, #tpu.memory_space<vmem>>, vector<1x1x16xf32>,
      %get3A_272 = vector.shape_cast %get3A_271 : vector<1x1x16xf32> to vector<16xf32>
      %get3A_273 = arith.constant 1 : i32
      %get3A_274 = arith.index_cast %get3A_273 : i32 to index
      %get3A_275 = arith.index_cast %add3A_200 : i32 to index
      %get3A_276 = arith.constant 822 : index
      %get3A_277 = tpu.vector_load %arg5[%get3A_274, %get3A_275, %get3A_276] {strides = array<i32>} : memref<4x24x854xf32, #tpu.memory_space<vmem>>, vector<1x1x16xf32>,
      %get3A_278 = vector.shape_cast %get3A_277 : vector<1x1x16xf32> to vector<16xf32>
      %get3A_279 = arith.constant 2 : i32
      %get3A_280 = arith.index_cast %get3A_279 : i32 to index
      %get3A_281 = arith.index_cast %add3A_200 : i32 to index
      %get3A_282 = arith.constant 822 : index
      %get3A_283 = tpu.vector_load %arg5[%get3A_280, %get3A_281, %get3A_282] {strides = array<i32>} : memref<4x24x854xf32, #tpu.memory_space<vmem>>, vector<1x1x16xf32>,
      %get3A_284 = vector.shape_cast %get3A_283 : vector<1x1x16xf32> to vector<16xf32>
      %get3A_285 = arith.constant 3 : i32
      %get3A_286 = arith.index_cast %get3A_285 : i32 to index
      %get3A_287 = arith.index_cast %add3A_200 : i32 to index
      %get3A_288 = arith.constant 822 : index
      %get3A_289 = tpu.vector_load %arg5[%get3A_286, %get3A_287, %get3A_288] {strides = array<i32>} : memref<4x24x854xf32, #tpu.memory_space<vmem>>, vector<1x1x16xf32>,
      %get3A_290 = vector.shape_cast %get3A_289 : vector<1x1x16xf32> to vector<16xf32>
      %max3A_291 = arith.maximumf %get3A_272, %get3A_278 : vector<16xf32>
      %max3A_292 = arith.maximumf %get3A_284, %get3A_290 : vector<16xf32>
      %max3A_293 = arith.maximumf %max3A_291, %max3A_292 : vector<16xf32>
      %min3A_294 = arith.minimumf %get3A_272, %get3A_278 : vector<16xf32>
      %min3A_295 = arith.minimumf %get3A_284, %get3A_290 : vector<16xf32>
      %min3A_296 = arith.minimumf %min3A_294, %min3A_295 : vector<16xf32>
      %add3A_297 = arith.constant 822 : i32
      %add3A_298 = arith.addi %mul3A_202, %add3A_297 : i32
      %swap3A_299 = arith.index_cast %add3A_298 : i32 to index
      %swap3A_300 = tpu.vector_load %arg6[%swap3A_299] {strides = array<i32>} : memref<12826xf32, #tpu.memory_space<vmem>>, vector<16xf32>,
      %swap3A_301 = vector.shape_cast %swap3A_300 : vector<16xf32> to vector<16xf32>
      %swap3A_302 = vector.shape_cast %max3A_293 : vector<16xf32> to vector<16xf32>
      tpu.vector_store %arg6[%swap3A_299], %swap3A_302 {strides = array<i32>} : memref<12826xf32, #tpu.memory_space<vmem>>, vector<16xf32>,
      %swap3A_303 = arith.index_cast %add3A_298 : i32 to index
      %swap3A_304 = tpu.vector_load %arg7[%swap3A_303] {strides = array<i32>} : memref<12826xf32, #tpu.memory_space<vmem>>, vector<16xf32>,
      %swap3A_305 = vector.shape_cast %swap3A_304 : vector<16xf32> to vector<16xf32>
      %swap3A_306 = vector.shape_cast %min3A_296 : vector<16xf32> to vector<16xf32>
      tpu.vector_store %arg7[%swap3A_303], %swap3A_306 {strides = array<i32>} : memref<12826xf32, #tpu.memory_space<vmem>>, vector<16xf32>,
      %add3A_307 = arith.constant 1 : i32
      %add3A_308 = arith.addi %add3A_298, %add3A_307 : i32
      %get3A_309 = arith.index_cast %add3A_308 : i32 to index
      %get3A_310 = tpu.vector_load %arg6[%get3A_309] {strides = array<i32>} : memref<12826xf32, #tpu.memory_space<vmem>>, vector<16xf32>,
      %get3A_311 = vector.shape_cast %get3A_310 : vector<16xf32> to vector<16xf32>
      %add3A_312 = arith.constant 1 : i32
      %add3A_313 = arith.addi %add3A_298, %add3A_312 : i32
      %get3A_314 = arith.index_cast %add3A_313 : i32 to index
      %get3A_315 = tpu.vector_load %arg7[%get3A_314] {strides = array<i32>} : memref<12826xf32, #tpu.memory_space<vmem>>, vector<16xf32>,
      %get3A_316 = vector.shape_cast %get3A_315 : vector<16xf32> to vector<16xf32>
      %get3A_317 = arith.constant 822 : index
      %get3A_318 = tpu.vector_load %arg9[%get3A_317] {strides = array<i32>} : memref<856xf32, #tpu.memory_space<vmem>>, vector<16xf32>,
      %get3A_319 = vector.shape_cast %get3A_318 : vector<16xf32> to vector<16xf32>
      %sub3A_320 = arith.subf %max3A_293, %min3A_296 : vector<16xf32>
      %max3A_321 = arith.constant 0.000000e+00 : f32
      %max3A_322 = vector.broadcast %max3A_321 : f32 to vector<16xf32>
      %max3A_323 = arith.maximumf %sub3A_320, %max3A_322 : vector<16xf32>
      %max3A_324 = arith.maximumf %max3A_293, %get3A_311 : vector<16xf32>
      %min3A_325 = arith.minimumf %min3A_296, %get3A_316 : vector<16xf32>
      %sub3A_326 = arith.subf %max3A_324, %min3A_325 : vector<16xf32>
      %max3A_327 = arith.constant 0.000000e+00 : f32
      %max3A_328 = vector.broadcast %max3A_327 : f32 to vector<16xf32>
      %max3A_329 = arith.maximumf %sub3A_326, %max3A_328 : vector<16xf32>
      %mul3A_330 = arith.mulf %get3A_319, %max3A_329 : vector<16xf32>
      %add3A_331 = arith.addf %max3A_323, %mul3A_330 : vector<16xf32>
      %max3A_332 = arith.maximumf %max3A_266, %add3A_331 : vector<16xf32>
      %scan3A_333 = arith.constant 0 : i32
      %scan3A_334 = arith.constant 26 : i32
      %scan3A_335 = arith.addi %scan3A_333, %scan3A_334 : i32
      %scan3A_336 = arith.constant 1 : i32
      %scan3A_337 = scf.for %scan3A_339 = %scan3A_333 to %scan3A_335 step %scan3A_336 iter_args(%scan3A_340 = %max3A_332) -> (vector<16xf32>)  : i32 {
        %sub3A_341 = arith.constant 25 : i32
        %sub3A_342 = arith.subi %sub3A_341, %scan3A_339 : i32
        %mul3A_343 = arith.constant 32 : i32
        %mul3A_344 = arith.muli %sub3A_342, %mul3A_343 : i32
        %add3A_345 = arith.constant 16 : i32
        %add3A_346 = arith.addi %mul3A_344, %add3A_345 : i32
        %get3A_347 = arith.constant 0 : i32
        %get3A_348 = arith.index_cast %get3A_347 : i32 to index
        %get3A_349 = arith.index_cast %add3A_200 : i32 to index
        %get3A_350 = arith.index_cast %add3A_346 : i32 to index
        %get3A_351 = tpu.vector_load %arg5[%get3A_348, %get3A_349, %get3A_350] {strides = array<i32>} : memref<4x24x854xf32, #tpu.memory_space<vmem>>, vector<1x1x16xf32>,
        %get3A_352 = vector.shape_cast %get3A_351 : vector<1x1x16xf32> to vector<16xf32>
        %get3A_353 = arith.constant 1 : i32
        %get3A_354 = arith.index_cast %get3A_353 : i32 to index
        %get3A_355 = arith.index_cast %add3A_200 : i32 to index
        %get3A_356 = arith.index_cast %add3A_346 : i32 to index
        %get3A_357 = tpu.vector_load %arg5[%get3A_354, %get3A_355, %get3A_356] {strides = array<i32>} : memref<4x24x854xf32, #tpu.memory_space<vmem>>, vector<1x1x16xf32>,
        %get3A_358 = vector.shape_cast %get3A_357 : vector<1x1x16xf32> to vector<16xf32>
        %get3A_359 = arith.constant 2 : i32
        %get3A_360 = arith.index_cast %get3A_359 : i32 to index
        %get3A_361 = arith.index_cast %add3A_200 : i32 to index
        %get3A_362 = arith.index_cast %add3A_346 : i32 to index
        %get3A_363 = tpu.vector_load %arg5[%get3A_360, %get3A_361, %get3A_362] {strides = array<i32>} : memref<4x24x854xf32, #tpu.memory_space<vmem>>, vector<1x1x16xf32>,
        %get3A_364 = vector.shape_cast %get3A_363 : vector<1x1x16xf32> to vector<16xf32>
        %get3A_365 = arith.constant 3 : i32
        %get3A_366 = arith.index_cast %get3A_365 : i32 to index
        %get3A_367 = arith.index_cast %add3A_200 : i32 to index
        %get3A_368 = arith.index_cast %add3A_346 : i32 to index
        %get3A_369 = tpu.vector_load %arg5[%get3A_366, %get3A_367, %get3A_368] {strides = array<i32>} : memref<4x24x854xf32, #tpu.memory_space<vmem>>, vector<1x1x16xf32>,
        %get3A_370 = vector.shape_cast %get3A_369 : vector<1x1x16xf32> to vector<16xf32>
        %max3A_371 = arith.maximumf %get3A_352, %get3A_358 : vector<16xf32>
        %max3A_372 = arith.maximumf %get3A_364, %get3A_370 : vector<16xf32>
        %max3A_373 = arith.maximumf %max3A_371, %max3A_372 : vector<16xf32>
        %min3A_374 = arith.minimumf %get3A_352, %get3A_358 : vector<16xf32>
        %min3A_375 = arith.minimumf %get3A_364, %get3A_370 : vector<16xf32>
        %min3A_376 = arith.minimumf %min3A_374, %min3A_375 : vector<16xf32>
        %add3A_377 = arith.addi %mul3A_202, %add3A_346 : i32
        %swap3A_378 = arith.index_cast %add3A_377 : i32 to index
        %swap3A_379 = tpu.vector_load %arg6[%swap3A_378] {strides = array<i32>} : memref<12826xf32, #tpu.memory_space<vmem>>, vector<16xf32>,
        %swap3A_380 = vector.shape_cast %swap3A_379 : vector<16xf32> to vector<16xf32>
        %swap3A_381 = vector.shape_cast %max3A_373 : vector<16xf32> to vector<16xf32>
        tpu.vector_store %arg6[%swap3A_378], %swap3A_381 {strides = array<i32>} : memref<12826xf32, #tpu.memory_space<vmem>>, vector<16xf32>,
        %swap3A_382 = arith.index_cast %add3A_377 : i32 to index
        %swap3A_383 = tpu.vector_load %arg7[%swap3A_382] {strides = array<i32>} : memref<12826xf32, #tpu.memory_space<vmem>>, vector<16xf32>,
        %swap3A_384 = vector.shape_cast %swap3A_383 : vector<16xf32> to vector<16xf32>
        %swap3A_385 = vector.shape_cast %min3A_376 : vector<16xf32> to vector<16xf32>
        tpu.vector_store %arg7[%swap3A_382], %swap3A_385 {strides = array<i32>} : memref<12826xf32, #tpu.memory_space<vmem>>, vector<16xf32>,
        %add3A_386 = arith.constant 1 : i32
        %add3A_387 = arith.addi %add3A_377, %add3A_386 : i32
        %get3A_388 = arith.index_cast %add3A_387 : i32 to index
        %get3A_389 = tpu.vector_load %arg6[%get3A_388] {strides = array<i32>} : memref<12826xf32, #tpu.memory_space<vmem>>, vector<16xf32>,
        %get3A_390 = vector.shape_cast %get3A_389 : vector<16xf32> to vector<16xf32>
        %add3A_391 = arith.constant 1 : i32
        %add3A_392 = arith.addi %add3A_377, %add3A_391 : i32
        %get3A_393 = arith.index_cast %add3A_392 : i32 to index
        %get3A_394 = tpu.vector_load %arg7[%get3A_393] {strides = array<i32>} : memref<12826xf32, #tpu.memory_space<vmem>>, vector<16xf32>,
        %get3A_395 = vector.shape_cast %get3A_394 : vector<16xf32> to vector<16xf32>
        %get3A_396 = arith.index_cast %add3A_346 : i32 to index
        %get3A_397 = tpu.vector_load %arg9[%get3A_396] {strides = array<i32>} : memref<856xf32, #tpu.memory_space<vmem>>, vector<16xf32>,
        %get3A_398 = vector.shape_cast %get3A_397 : vector<16xf32> to vector<16xf32>
        %sub3A_399 = arith.subf %max3A_373, %min3A_376 : vector<16xf32>
        %max3A_400 = arith.constant 0.000000e+00 : f32
        %max3A_401 = vector.broadcast %max3A_400 : f32 to vector<16xf32>
        %max3A_402 = arith.maximumf %sub3A_399, %max3A_401 : vector<16xf32>
        %max3A_403 = arith.maximumf %max3A_373, %get3A_390 : vector<16xf32>
        %min3A_404 = arith.minimumf %min3A_376, %get3A_395 : vector<16xf32>
        %sub3A_405 = arith.subf %max3A_403, %min3A_404 : vector<16xf32>
        %max3A_406 = arith.constant 0.000000e+00 : f32
        %max3A_407 = vector.broadcast %max3A_406 : f32 to vector<16xf32>
        %max3A_408 = arith.maximumf %sub3A_405, %max3A_407 : vector<16xf32>
        %mul3A_409 = arith.mulf %get3A_398, %max3A_408 : vector<16xf32>
        %add3A_410 = arith.addf %max3A_402, %mul3A_409 : vector<16xf32>
        %max3A_411 = arith.maximumf %scan3A_340, %add3A_410 : vector<16xf32>
        %add3A_412 = arith.constant 0 : i32
        %add3A_413 = arith.addi %mul3A_344, %add3A_412 : i32
        %get3A_414 = arith.constant 0 : i32
        %get3A_415 = arith.index_cast %get3A_414 : i32 to index
        %get3A_416 = arith.index_cast %add3A_200 : i32 to index
        %get3A_417 = arith.index_cast %add3A_413 : i32 to index
        %get3A_418 = tpu.vector_load %arg5[%get3A_415, %get3A_416, %get3A_417] {strides = array<i32>} : memref<4x24x854xf32, #tpu.memory_space<vmem>>, vector<1x1x16xf32>,
        %get3A_419 = vector.shape_cast %get3A_418 : vector<1x1x16xf32> to vector<16xf32>
        %get3A_420 = arith.constant 1 : i32
        %get3A_421 = arith.index_cast %get3A_420 : i32 to index
        %get3A_422 = arith.index_cast %add3A_200 : i32 to index
        %get3A_423 = arith.index_cast %add3A_413 : i32 to index
        %get3A_424 = tpu.vector_load %arg5[%get3A_421, %get3A_422, %get3A_423] {strides = array<i32>} : memref<4x24x854xf32, #tpu.memory_space<vmem>>, vector<1x1x16xf32>,
        %get3A_425 = vector.shape_cast %get3A_424 : vector<1x1x16xf32> to vector<16xf32>
        %get3A_426 = arith.constant 2 : i32
        %get3A_427 = arith.index_cast %get3A_426 : i32 to index
        %get3A_428 = arith.index_cast %add3A_200 : i32 to index
        %get3A_429 = arith.index_cast %add3A_413 : i32 to index
        %get3A_430 = tpu.vector_load %arg5[%get3A_427, %get3A_428, %get3A_429] {strides = array<i32>} : memref<4x24x854xf32, #tpu.memory_space<vmem>>, vector<1x1x16xf32>,
        %get3A_431 = vector.shape_cast %get3A_430 : vector<1x1x16xf32> to vector<16xf32>
        %get3A_432 = arith.constant 3 : i32
        %get3A_433 = arith.index_cast %get3A_432 : i32 to index
        %get3A_434 = arith.index_cast %add3A_200 : i32 to index
        %get3A_435 = arith.index_cast %add3A_413 : i32 to index
        %get3A_436 = tpu.vector_load %arg5[%get3A_433, %get3A_434, %get3A_435] {strides = array<i32>} : memref<4x24x854xf32, #tpu.memory_space<vmem>>, vector<1x1x16xf32>,
        %get3A_437 = vector.shape_cast %get3A_436 : vector<1x1x16xf32> to vector<16xf32>
        %max3A_438 = arith.maximumf %get3A_419, %get3A_425 : vector<16xf32>
        %max3A_439 = arith.maximumf %get3A_431, %get3A_437 : vector<16xf32>
        %max3A_440 = arith.maximumf %max3A_438, %max3A_439 : vector<16xf32>
        %min3A_441 = arith.minimumf %get3A_419, %get3A_425 : vector<16xf32>
        %min3A_442 = arith.minimumf %get3A_431, %get3A_437 : vector<16xf32>
        %min3A_443 = arith.minimumf %min3A_441, %min3A_442 : vector<16xf32>
        %add3A_444 = arith.addi %mul3A_202, %add3A_413 : i32
        %swap3A_445 = arith.index_cast %add3A_444 : i32 to index
        %swap3A_446 = tpu.vector_load %arg6[%swap3A_445] {strides = array<i32>} : memref<12826xf32, #tpu.memory_space<vmem>>, vector<16xf32>,
        %swap3A_447 = vector.shape_cast %swap3A_446 : vector<16xf32> to vector<16xf32>
        %swap3A_448 = vector.shape_cast %max3A_440 : vector<16xf32> to vector<16xf32>
        tpu.vector_store %arg6[%swap3A_445], %swap3A_448 {strides = array<i32>} : memref<12826xf32, #tpu.memory_space<vmem>>, vector<16xf32>,
        %swap3A_449 = arith.index_cast %add3A_444 : i32 to index
        %swap3A_450 = tpu.vector_load %arg7[%swap3A_449] {strides = array<i32>} : memref<12826xf32, #tpu.memory_space<vmem>>, vector<16xf32>,
        %swap3A_451 = vector.shape_cast %swap3A_450 : vector<16xf32> to vector<16xf32>
        %swap3A_452 = vector.shape_cast %min3A_443 : vector<16xf32> to vector<16xf32>
        tpu.vector_store %arg7[%swap3A_449], %swap3A_452 {strides = array<i32>} : memref<12826xf32, #tpu.memory_space<vmem>>, vector<16xf32>,
        %add3A_453 = arith.constant 1 : i32
        %add3A_454 = arith.addi %add3A_444, %add3A_453 : i32
        %get3A_455 = arith.index_cast %add3A_454 : i32 to index
        %get3A_456 = tpu.vector_load %arg6[%get3A_455] {strides = array<i32>} : memref<12826xf32, #tpu.memory_space<vmem>>, vector<16xf32>,
        %get3A_457 = vector.shape_cast %get3A_456 : vector<16xf32> to vector<16xf32>
        %add3A_458 = arith.constant 1 : i32
        %add3A_459 = arith.addi %add3A_444, %add3A_458 : i32
        %get3A_460 = arith.index_cast %add3A_459 : i32 to index
        %get3A_461 = tpu.vector_load %arg7[%get3A_460] {strides = array<i32>} : memref<12826xf32, #tpu.memory_space<vmem>>, vector<16xf32>,
        %get3A_462 = vector.shape_cast %get3A_461 : vector<16xf32> to vector<16xf32>
        %get3A_463 = arith.index_cast %add3A_413 : i32 to index
        %get3A_464 = tpu.vector_load %arg9[%get3A_463] {strides = array<i32>} : memref<856xf32, #tpu.memory_space<vmem>>, vector<16xf32>,
        %get3A_465 = vector.shape_cast %get3A_464 : vector<16xf32> to vector<16xf32>
        %sub3A_466 = arith.subf %max3A_440, %min3A_443 : vector<16xf32>
        %max3A_467 = arith.constant 0.000000e+00 : f32
        %max3A_468 = vector.broadcast %max3A_467 : f32 to vector<16xf32>
        %max3A_469 = arith.maximumf %sub3A_466, %max3A_468 : vector<16xf32>
        %max3A_470 = arith.maximumf %max3A_440, %get3A_457 : vector<16xf32>
        %min3A_471 = arith.minimumf %min3A_443, %get3A_462 : vector<16xf32>
        %sub3A_472 = arith.subf %max3A_470, %min3A_471 : vector<16xf32>
        %max3A_473 = arith.constant 0.000000e+00 : f32
        %max3A_474 = vector.broadcast %max3A_473 : f32 to vector<16xf32>
        %max3A_475 = arith.maximumf %sub3A_472, %max3A_474 : vector<16xf32>
        %mul3A_476 = arith.mulf %get3A_465, %max3A_475 : vector<16xf32>
        %add3A_477 = arith.addf %max3A_469, %mul3A_476 : vector<16xf32>
        %max3A_478 = arith.maximumf %max3A_411, %add3A_477 : vector<16xf32>
        scf.yield %max3A_478 : vector<16xf32>
      }
      %scan3A_338 = arith.constant 26 : i32
      scf.yield %scan3A_337 : vector<16xf32>
    }
    %scan3A_186 = arith.constant 15 : i32
    %scan3A_187 = arith.constant 0 : i32
    %scan3A_188 = arith.constant 5 : i32
    %scan3A_189 = arith.addi %scan3A_187, %scan3A_188 : i32
    %scan3A_190 = arith.constant 1 : i32
    %scan3A_191 = scf.for %scan3A_198 = %scan3A_187 to %scan3A_189 step %scan3A_190 iter_args(%scan3A_199 = %scan3A_185) -> (vector<16xf32>)  : i32 {
      %mul3A_200 = arith.constant 3 : i32
      %mul3A_201 = arith.muli %mul3A_200, %scan3A_198 : i32
      %add3A_202 = arith.constant 1 : i32
      %add3A_203 = arith.addi %add3A_202, %mul3A_201 : i32
      %mul3A_204 = arith.constant 854 : i32
      %mul3A_205 = arith.muli %add3A_203, %mul3A_204 : i32
      %scan3A_206 = arith.constant 0 : i32
      %scan3A_207 = arith.constant 26 : i32
      %scan3A_208 = arith.addi %scan3A_206, %scan3A_207 : i32
      %scan3A_209 = arith.constant 1 : i32
      %scan3A_210 = scf.for %scan3A_318 = %scan3A_206 to %scan3A_208 step %scan3A_209 iter_args(%scan3A_319 = %scan3A_199) -> (vector<16xf32>)  : i32 {
        %mul3A_320 = arith.constant 32 : i32
        %mul3A_321 = arith.muli %scan3A_318, %mul3A_320 : i32
        %add3A_322 = arith.constant 0 : i32
        %add3A_323 = arith.addi %mul3A_321, %add3A_322 : i32
        %add3A_324 = arith.addi %mul3A_205, %add3A_323 : i32
        %get3A_325 = arith.index_cast %add3A_324 : i32 to index
        %get3A_326 = tpu.vector_load %arg6[%get3A_325] {strides = array<i32>} : memref<12826xf32, #tpu.memory_space<vmem>>, vector<16xf32>,
        %get3A_327 = vector.shape_cast %get3A_326 : vector<16xf32> to vector<16xf32>
        %get3A_328 = arith.index_cast %add3A_324 : i32 to index
        %get3A_329 = tpu.vector_load %arg7[%get3A_328] {strides = array<i32>} : memref<12826xf32, #tpu.memory_space<vmem>>, vector<16xf32>,
        %get3A_330 = vector.shape_cast %get3A_329 : vector<16xf32> to vector<16xf32>
        %add3A_331 = arith.constant 854 : i32
        %add3A_332 = arith.addi %add3A_324, %add3A_331 : i32
        %get3A_333 = arith.index_cast %add3A_332 : i32 to index
        %get3A_334 = tpu.vector_load %arg6[%get3A_333] {strides = array<i32>} : memref<12826xf32, #tpu.memory_space<vmem>>, vector<16xf32>,
        %get3A_335 = vector.shape_cast %get3A_334 : vector<16xf32> to vector<16xf32>
        %add3A_336 = arith.constant 854 : i32
        %add3A_337 = arith.addi %add3A_324, %add3A_336 : i32
        %get3A_338 = arith.index_cast %add3A_337 : i32 to index
        %get3A_339 = tpu.vector_load %arg7[%get3A_338] {strides = array<i32>} : memref<12826xf32, #tpu.memory_space<vmem>>, vector<16xf32>,
        %get3A_340 = vector.shape_cast %get3A_339 : vector<16xf32> to vector<16xf32>
        %add3A_341 = arith.constant 854 : i32
        %add3A_342 = arith.addi %add3A_324, %add3A_341 : i32
        %add3A_343 = arith.constant 1 : i32
        %add3A_344 = arith.addi %add3A_342, %add3A_343 : i32
        %get3A_345 = arith.index_cast %add3A_344 : i32 to index
        %get3A_346 = tpu.vector_load %arg6[%get3A_345] {strides = array<i32>} : memref<12826xf32, #tpu.memory_space<vmem>>, vector<16xf32>,
        %get3A_347 = vector.shape_cast %get3A_346 : vector<16xf32> to vector<16xf32>
        %add3A_348 = arith.constant 854 : i32
        %add3A_349 = arith.addi %add3A_324, %add3A_348 : i32
        %add3A_350 = arith.constant 1 : i32
        %add3A_351 = arith.addi %add3A_349, %add3A_350 : i32
        %get3A_352 = arith.index_cast %add3A_351 : i32 to index
        %get3A_353 = tpu.vector_load %arg7[%get3A_352] {strides = array<i32>} : memref<12826xf32, #tpu.memory_space<vmem>>, vector<16xf32>,
        %get3A_354 = vector.shape_cast %get3A_353 : vector<16xf32> to vector<16xf32>
        %get3A_355 = arith.index_cast %add3A_323 : i32 to index
        %get3A_356 = tpu.vector_load %arg8[%get3A_355] {strides = array<i32>} : memref<856xf32, #tpu.memory_space<vmem>>, vector<16xf32>,
        %get3A_357 = vector.shape_cast %get3A_356 : vector<16xf32> to vector<16xf32>
        %get3A_358 = arith.index_cast %add3A_323 : i32 to index
        %get3A_359 = tpu.vector_load %arg9[%get3A_358] {strides = array<i32>} : memref<856xf32, #tpu.memory_space<vmem>>, vector<16xf32>,
        %get3A_360 = vector.shape_cast %get3A_359 : vector<16xf32> to vector<16xf32>
        %max3A_361 = arith.maximumf %get3A_327, %get3A_335 : vector<16xf32>
        %min3A_362 = arith.minimumf %get3A_330, %get3A_340 : vector<16xf32>
        %sub3A_363 = arith.subf %max3A_361, %min3A_362 : vector<16xf32>
        %max3A_364 = arith.constant 0.000000e+00 : f32
        %max3A_365 = vector.broadcast %max3A_364 : f32 to vector<16xf32>
        %max3A_366 = arith.maximumf %sub3A_363, %max3A_365 : vector<16xf32>
        %mul3A_367 = arith.mulf %get3A_357, %max3A_366 : vector<16xf32>
        %max3A_368 = arith.maximumf %get3A_327, %get3A_347 : vector<16xf32>
        %min3A_369 = arith.minimumf %get3A_330, %get3A_354 : vector<16xf32>
        %sub3A_370 = arith.subf %max3A_368, %min3A_369 : vector<16xf32>
        %max3A_371 = arith.constant 0.000000e+00 : f32
        %max3A_372 = vector.broadcast %max3A_371 : f32 to vector<16xf32>
        %max3A_373 = arith.maximumf %sub3A_370, %max3A_372 : vector<16xf32>
        %mul3A_374 = arith.mulf %get3A_360, %max3A_373 : vector<16xf32>
        %add3A_375 = arith.addf %mul3A_367, %mul3A_374 : vector<16xf32>
        %max3A_376 = arith.maximumf %scan3A_319, %add3A_375 : vector<16xf32>
        %add3A_377 = arith.constant 16 : i32
        %add3A_378 = arith.addi %mul3A_321, %add3A_377 : i32
        %add3A_379 = arith.addi %mul3A_205, %add3A_378 : i32
        %get3A_380 = arith.index_cast %add3A_379 : i32 to index
        %get3A_381 = tpu.vector_load %arg6[%get3A_380] {strides = array<i32>} : memref<12826xf32, #tpu.memory_space<vmem>>, vector<16xf32>,
        %get3A_382 = vector.shape_cast %get3A_381 : vector<16xf32> to vector<16xf32>
        %get3A_383 = arith.index_cast %add3A_379 : i32 to index
        %get3A_384 = tpu.vector_load %arg7[%get3A_383] {strides = array<i32>} : memref<12826xf32, #tpu.memory_space<vmem>>, vector<16xf32>,
        %get3A_385 = vector.shape_cast %get3A_384 : vector<16xf32> to vector<16xf32>
        %add3A_386 = arith.constant 854 : i32
        %add3A_387 = arith.addi %add3A_379, %add3A_386 : i32
        %get3A_388 = arith.index_cast %add3A_387 : i32 to index
        %get3A_389 = tpu.vector_load %arg6[%get3A_388] {strides = array<i32>} : memref<12826xf32, #tpu.memory_space<vmem>>, vector<16xf32>,
        %get3A_390 = vector.shape_cast %get3A_389 : vector<16xf32> to vector<16xf32>
        %add3A_391 = arith.constant 854 : i32
        %add3A_392 = arith.addi %add3A_379, %add3A_391 : i32
        %get3A_393 = arith.index_cast %add3A_392 : i32 to index
        %get3A_394 = tpu.vector_load %arg7[%get3A_393] {strides = array<i32>} : memref<12826xf32, #tpu.memory_space<vmem>>, vector<16xf32>,
        %get3A_395 = vector.shape_cast %get3A_394 : vector<16xf32> to vector<16xf32>
        %add3A_396 = arith.constant 854 : i32
        %add3A_397 = arith.addi %add3A_379, %add3A_396 : i32
        %add3A_398 = arith.constant 1 : i32
        %add3A_399 = arith.addi %add3A_397, %add3A_398 : i32
        %get3A_400 = arith.index_cast %add3A_399 : i32 to index
        %get3A_401 = tpu.vector_load %arg6[%get3A_400] {strides = array<i32>} : memref<12826xf32, #tpu.memory_space<vmem>>, vector<16xf32>,
        %get3A_402 = vector.shape_cast %get3A_401 : vector<16xf32> to vector<16xf32>
        %add3A_403 = arith.constant 854 : i32
        %add3A_404 = arith.addi %add3A_379, %add3A_403 : i32
        %add3A_405 = arith.constant 1 : i32
        %add3A_406 = arith.addi %add3A_404, %add3A_405 : i32
        %get3A_407 = arith.index_cast %add3A_406 : i32 to index
        %get3A_408 = tpu.vector_load %arg7[%get3A_407] {strides = array<i32>} : memref<12826xf32, #tpu.memory_space<vmem>>, vector<16xf32>,
        %get3A_409 = vector.shape_cast %get3A_408 : vector<16xf32> to vector<16xf32>
        %get3A_410 = arith.index_cast %add3A_378 : i32 to index
        %get3A_411 = tpu.vector_load %arg8[%get3A_410] {strides = array<i32>} : memref<856xf32, #tpu.memory_space<vmem>>, vector<16xf32>,
        %get3A_412 = vector.shape_cast %get3A_411 : vector<16xf32> to vector<16xf32>
        %get3A_413 = arith.index_cast %add3A_378 : i32 to index
        %get3A_414 = tpu.vector_load %arg9[%get3A_413] {strides = array<i32>} : memref<856xf32, #tpu.memory_space<vmem>>, vector<16xf32>,
        %get3A_415 = vector.shape_cast %get3A_414 : vector<16xf32> to vector<16xf32>
        %max3A_416 = arith.maximumf %get3A_382, %get3A_390 : vector<16xf32>
        %min3A_417 = arith.minimumf %get3A_385, %get3A_395 : vector<16xf32>
        %sub3A_418 = arith.subf %max3A_416, %min3A_417 : vector<16xf32>
        %max3A_419 = arith.constant 0.000000e+00 : f32
        %max3A_420 = vector.broadcast %max3A_419 : f32 to vector<16xf32>
        %max3A_421 = arith.maximumf %sub3A_418, %max3A_420 : vector<16xf32>
        %mul3A_422 = arith.mulf %get3A_412, %max3A_421 : vector<16xf32>
        %max3A_423 = arith.maximumf %get3A_382, %get3A_402 : vector<16xf32>
        %min3A_424 = arith.minimumf %get3A_385, %get3A_409 : vector<16xf32>
        %sub3A_425 = arith.subf %max3A_423, %min3A_424 : vector<16xf32>
        %max3A_426 = arith.constant 0.000000e+00 : f32
        %max3A_427 = vector.broadcast %max3A_426 : f32 to vector<16xf32>
        %max3A_428 = arith.maximumf %sub3A_425, %max3A_427 : vector<16xf32>
        %mul3A_429 = arith.mulf %get3A_415, %max3A_428 : vector<16xf32>
        %add3A_430 = arith.addf %mul3A_422, %mul3A_429 : vector<16xf32>
        %max3A_431 = arith.maximumf %max3A_376, %add3A_430 : vector<16xf32>
        scf.yield %max3A_431 : vector<16xf32>
      }
      %scan3A_211 = arith.constant 26 : i32
      %add3A_212 = arith.constant 822 : i32
      %add3A_213 = arith.addi %mul3A_205, %add3A_212 : i32
      %get3A = arith.index_cast %add3A_213 : i32 to index
      %get3A_214 = tpu.vector_load %arg6[%get3A] {strides = array<i32>} : memref<12826xf32, #tpu.memory_space<vmem>>, vector<16xf32>,
      %get3A_215 = vector.shape_cast %get3A_214 : vector<16xf32> to vector<16xf32>
      %get3A_216 = arith.index_cast %add3A_213 : i32 to index
      %get3A_217 = tpu.vector_load %arg7[%get3A_216] {strides = array<i32>} : memref<12826xf32, #tpu.memory_space<vmem>>, vector<16xf32>,
      %get3A_218 = vector.shape_cast %get3A_217 : vector<16xf32> to vector<16xf32>
      %add3A_219 = arith.constant 854 : i32
      %add3A_220 = arith.addi %add3A_213, %add3A_219 : i32
      %get3A_221 = arith.index_cast %add3A_220 : i32 to index
      %get3A_222 = tpu.vector_load %arg6[%get3A_221] {strides = array<i32>} : memref<12826xf32, #tpu.memory_space<vmem>>, vector<16xf32>,
      %get3A_223 = vector.shape_cast %get3A_222 : vector<16xf32> to vector<16xf32>
      %add3A_224 = arith.constant 854 : i32
      %add3A_225 = arith.addi %add3A_213, %add3A_224 : i32
      %get3A_226 = arith.index_cast %add3A_225 : i32 to index
      %get3A_227 = tpu.vector_load %arg7[%get3A_226] {strides = array<i32>} : memref<12826xf32, #tpu.memory_space<vmem>>, vector<16xf32>,
      %get3A_228 = vector.shape_cast %get3A_227 : vector<16xf32> to vector<16xf32>
      %add3A_229 = arith.constant 854 : i32
      %add3A_230 = arith.addi %add3A_213, %add3A_229 : i32
      %add3A_231 = arith.constant 1 : i32
      %add3A_232 = arith.addi %add3A_230, %add3A_231 : i32
      %get3A_233 = arith.index_cast %add3A_232 : i32 to index
      %get3A_234 = tpu.vector_load %arg6[%get3A_233] {strides = array<i32>} : memref<12826xf32, #tpu.memory_space<vmem>>, vector<16xf32>,
      %get3A_235 = vector.shape_cast %get3A_234 : vector<16xf32> to vector<16xf32>
      %add3A_236 = arith.constant 854 : i32
      %add3A_237 = arith.addi %add3A_213, %add3A_236 : i32
      %add3A_238 = arith.constant 1 : i32
      %add3A_239 = arith.addi %add3A_237, %add3A_238 : i32
      %get3A_240 = arith.index_cast %add3A_239 : i32 to index
      %get3A_241 = tpu.vector_load %arg7[%get3A_240] {strides = array<i32>} : memref<12826xf32, #tpu.memory_space<vmem>>, vector<16xf32>,
      %get3A_242 = vector.shape_cast %get3A_241 : vector<16xf32> to vector<16xf32>
      %get3A_243 = arith.constant 822 : index
      %get3A_244 = tpu.vector_load %arg8[%get3A_243] {strides = array<i32>} : memref<856xf32, #tpu.memory_space<vmem>>, vector<16xf32>,
      %get3A_245 = vector.shape_cast %get3A_244 : vector<16xf32> to vector<16xf32>
      %get3A_246 = arith.constant 822 : index
      %get3A_247 = tpu.vector_load %arg9[%get3A_246] {strides = array<i32>} : memref<856xf32, #tpu.memory_space<vmem>>, vector<16xf32>,
      %get3A_248 = vector.shape_cast %get3A_247 : vector<16xf32> to vector<16xf32>
      %max3A = arith.maximumf %get3A_215, %get3A_223 : vector<16xf32>
      %min3A_249 = arith.minimumf %get3A_218, %get3A_228 : vector<16xf32>
      %sub3A_250 = arith.subf %max3A, %min3A_249 : vector<16xf32>
      %max3A_251 = arith.constant 0.000000e+00 : f32
      %max3A_252 = vector.broadcast %max3A_251 : f32 to vector<16xf32>
      %max3A_253 = arith.maximumf %sub3A_250, %max3A_252 : vector<16xf32>
      %mul3A_254 = arith.mulf %get3A_245, %max3A_253 : vector<16xf32>
      %max3A_255 = arith.maximumf %get3A_215, %get3A_235 : vector<16xf32>
      %min3A_256 = arith.minimumf %get3A_218, %get3A_242 : vector<16xf32>
      %sub3A_257 = arith.subf %max3A_255, %min3A_256 : vector<16xf32>
      %max3A_258 = arith.constant 0.000000e+00 : f32
      %max3A_259 = vector.broadcast %max3A_258 : f32 to vector<16xf32>
      %max3A_260 = arith.maximumf %sub3A_257, %max3A_259 : vector<16xf32>
      %mul3A_261 = arith.mulf %get3A_248, %max3A_260 : vector<16xf32>
      %add3A_262 = arith.addf %mul3A_254, %mul3A_261 : vector<16xf32>
      %max3A_263 = arith.maximumf %scan3A_210, %add3A_262 : vector<16xf32>
      %add3A_264 = arith.constant 838 : i32
      %add3A_265 = arith.addi %mul3A_205, %add3A_264 : i32
      %get3A_266 = arith.index_cast %add3A_265 : i32 to index
      %get3A_267 = tpu.vector_load %arg6[%get3A_266] {strides = array<i32>} : memref<12826xf32, #tpu.memory_space<vmem>>, vector<16xf32>,
      %get3A_268 = vector.shape_cast %get3A_267 : vector<16xf32> to vector<16xf32>
      %get3A_269 = arith.index_cast %add3A_265 : i32 to index
      %get3A_270 = tpu.vector_load %arg7[%get3A_269] {strides = array<i32>} : memref<12826xf32, #tpu.memory_space<vmem>>, vector<16xf32>,
      %get3A_271 = vector.shape_cast %get3A_270 : vector<16xf32> to vector<16xf32>
      %add3A_272 = arith.constant 854 : i32
      %add3A_273 = arith.addi %add3A_265, %add3A_272 : i32
      %get3A_274 = arith.index_cast %add3A_273 : i32 to index
      %get3A_275 = tpu.vector_load %arg6[%get3A_274] {strides = array<i32>} : memref<12826xf32, #tpu.memory_space<vmem>>, vector<16xf32>,
      %get3A_276 = vector.shape_cast %get3A_275 : vector<16xf32> to vector<16xf32>
      %add3A_277 = arith.constant 854 : i32
      %add3A_278 = arith.addi %add3A_265, %add3A_277 : i32
      %get3A_279 = arith.index_cast %add3A_278 : i32 to index
      %get3A_280 = tpu.vector_load %arg7[%get3A_279] {strides = array<i32>} : memref<12826xf32, #tpu.memory_space<vmem>>, vector<16xf32>,
      %get3A_281 = vector.shape_cast %get3A_280 : vector<16xf32> to vector<16xf32>
      %add3A_282 = arith.constant 854 : i32
      %add3A_283 = arith.addi %add3A_265, %add3A_282 : i32
      %add3A_284 = arith.constant 1 : i32
      %add3A_285 = arith.addi %add3A_283, %add3A_284 : i32
      %get3A_286 = arith.index_cast %add3A_285 : i32 to index
      %get3A_287 = tpu.vector_load %arg6[%get3A_286] {strides = array<i32>} : memref<12826xf32, #tpu.memory_space<vmem>>, vector<16xf32>,
      %get3A_288 = vector.shape_cast %get3A_287 : vector<16xf32> to vector<16xf32>
      %add3A_289 = arith.constant 854 : i32
      %add3A_290 = arith.addi %add3A_265, %add3A_289 : i32
      %add3A_291 = arith.constant 1 : i32
      %add3A_292 = arith.addi %add3A_290, %add3A_291 : i32
      %get3A_293 = arith.index_cast %add3A_292 : i32 to index
      %get3A_294 = tpu.vector_load %arg7[%get3A_293] {strides = array<i32>} : memref<12826xf32, #tpu.memory_space<vmem>>, vector<16xf32>,
      %get3A_295 = vector.shape_cast %get3A_294 : vector<16xf32> to vector<16xf32>
      %get3A_296 = arith.constant 838 : index
      %get3A_297 = tpu.vector_load %arg8[%get3A_296] {strides = array<i32>} : memref<856xf32, #tpu.memory_space<vmem>>, vector<16xf32>,
      %get3A_298 = vector.shape_cast %get3A_297 : vector<16xf32> to vector<16xf32>
      %get3A_299 = arith.constant 838 : index
      %get3A_300 = tpu.vector_load %arg9[%get3A_299] {strides = array<i32>} : memref<856xf32, #tpu.memory_space<vmem>>, vector<16xf32>,
      %get3A_301 = vector.shape_cast %get3A_300 : vector<16xf32> to vector<16xf32>
      %max3A_302 = arith.maximumf %get3A_268, %get3A_276 : vector<16xf32>
      %min3A_303 = arith.minimumf %get3A_271, %get3A_281 : vector<16xf32>
      %sub3A_304 = arith.subf %max3A_302, %min3A_303 : vector<16xf32>
      %max3A_305 = arith.constant 0.000000e+00 : f32
      %max3A_306 = vector.broadcast %max3A_305 : f32 to vector<16xf32>
      %max3A_307 = arith.maximumf %sub3A_304, %max3A_306 : vector<16xf32>
      %mul3A_308 = arith.mulf %get3A_298, %max3A_307 : vector<16xf32>
      %max3A_309 = arith.maximumf %get3A_268, %get3A_288 : vector<16xf32>
      %min3A_310 = arith.minimumf %get3A_271, %get3A_295 : vector<16xf32>
      %sub3A_311 = arith.subf %max3A_309, %min3A_310 : vector<16xf32>
      %max3A_312 = arith.constant 0.000000e+00 : f32
      %max3A_313 = vector.broadcast %max3A_312 : f32 to vector<16xf32>
      %max3A_314 = arith.maximumf %sub3A_311, %max3A_313 : vector<16xf32>
      %mul3A_315 = arith.mulf %get3A_301, %max3A_314 : vector<16xf32>
      %add3A_316 = arith.addf %mul3A_308, %mul3A_315 : vector<16xf32>
      %max3A_317 = arith.maximumf %max3A_263, %add3A_316 : vector<16xf32>
      scf.yield %max3A_317 : vector<16xf32>
    }
    %scan3A_192 = arith.constant 5 : i32
    %swap3A = arith.constant 0 : index
    %swap3A_193 = tpu.vector_load %arg10[%swap3A] {strides = array<i32>} : memref<16xf32, #tpu.memory_space<vmem>>, vector<16xf32>,
    %swap3A_194 = vector.shape_cast %swap3A_193 : vector<16xf32> to vector<16xf32>
    %swap3A_195 = vector.shape_cast %scan3A_191 : vector<16xf32> to vector<16xf32>
    tpu.vector_store %arg10[%swap3A], %swap3A_195 {strides = array<i32>} : memref<16xf32, #tpu.memory_space<vmem>>, vector<16xf32>,
    %mul3A_196 = arith.constant 16 : i32
    %mul3A_197 = arith.muli %add3A, %mul3A_196 : i32
    "tpu.region"() ({
      %run_scoped3A = tpu.sem_alloc : memref<!tpu.dma_semaphore, #tpu.memory_space<semaphore_mem>>
      %dma_start3A_198 = tpu.memref_slice %arg4[%mul3A_197] : memref<512xf32, #tpu.memory_space<hbm>> -> memref<16xf32, #tpu.memory_space<hbm>>
      %dma_start3A_199 = tpu.memref_slice %arg4[%mul3A_197] : memref<512xf32, #tpu.memory_space<hbm>> -> memref<16xf32, #tpu.memory_space<hbm>>
      tpu.enqueue_dma source(%arg10 : memref<16xf32, #tpu.memory_space<vmem>>) target(%dma_start3A_199 : memref<16xf32, #tpu.memory_space<hbm>>) target_semaphore(%run_scoped3A : memref<!tpu.dma_semaphore, #tpu.memory_space<semaphore_mem>>)
      %dma_wait3A_200 = tpu.memref_slice %arg4[%mul3A_197] : memref<512xf32, #tpu.memory_space<hbm>> -> memref<16xf32, #tpu.memory_space<hbm>>
      %dma_wait3A_201 = tpu.memref_slice %arg4[%mul3A_197] : memref<512xf32, #tpu.memory_space<hbm>> -> memref<16xf32, #tpu.memory_space<hbm>>
      tpu.wait_dma2 semaphore(%run_scoped3A : memref<!tpu.dma_semaphore, #tpu.memory_space<semaphore_mem>>) src(%arg10 : memref<16xf32, #tpu.memory_space<vmem>>) dst(%dma_wait3A_201 : memref<16xf32, #tpu.memory_space<hbm>>)
      tpu.yield
    }) : () -> ()
    return
  }
}

module attributes {stable_mosaic.version = 14 : i64} {
  func.func @_tc_reduce_body(%arg0: memref<512xf32, #tpu.memory_space<vmem>>, %arg1: memref<1xf32, #tpu.memory_space<vmem>>) attributes {dimension_semantics = [], scalar_prefetch = 0 : i64, scratch_operands = 0 : i64, tpu.core_type = #tpu.core_type<tc>} {
    %get3A = arith.constant 0 : index
    %get3A_0 = vector.load %arg0[%get3A] : memref<512xf32, #tpu.memory_space<vmem>>, vector<512xf32>
    %reduce_max3A = vector.shape_cast %get3A_0 : vector<512xf32> to vector<1x512xf32>
    %reduce_max3A_1 = arith.constant dense<0xFF800000> : vector<1xf32>
    %reduce_max3A_2 = vector.multi_reduction <maximumf>, %reduce_max3A, %reduce_max3A_1 [1] : vector<1x512xf32> to vector<1xf32>
    %reduce_max3A_3 = vector.shape_cast %reduce_max3A_2 : vector<1xf32> to vector<1x1xf32>
    %reduce_max3A_4 = vector.extract %reduce_max3A_3[0, 0] : f32 from vector<1x1xf32>
    %broadcast_in_dim3A = vector.broadcast %reduce_max3A_4 : f32 to vector<1xf32>
    %swap3A = arith.constant 0 : index
    %swap3A_5 = vector.load %arg1[%swap3A] : memref<1xf32, #tpu.memory_space<vmem>>, vector<1xf32>
    tpu.vector_store %arg1[%swap3A], %broadcast_in_dim3A {strides = array<i32>} : memref<1xf32, #tpu.memory_space<vmem>>, vector<1xf32>,
    return
  }
}

</mosaic_0001>

<sc_bundles>
// kernel: kernel.4.cloned.1.call-start
scs
__scs_entry_jumppad:
0x0: {  	(pc) =	sbr.rel $0x88, $3  }
0x1: {  	(tag) =	ssettag $0x0;
	lr =	simm.s32 $0x1  }
0x2: {  	[smem:$0x3FA0] =	sst lr;
	_ =	strace $0xD0000000  }
0x3: {  	_ = 	snop  }
0x4: {  	_ = 	snop  }
0x5: {  	_ = 	snop  }
0x6: {  	_ = 	snop  }
0x7: {  	_ = 	snop  }
__scs_overlays_trampoline_lowered:
0x8: {  	[smem:$0x3FAF] =	sst s0  }
0x9: {  	[smem:$0x3FB0] =	sst s1  }
0xa: {  	[smem:$0x3FB1] =	sst s2  }
0xb: {  	[smem:$0x3FB2] =	sst s3  }
0xc: {  	[smem:$0x3FB3] =	sst s4  }
0xd: {  	[smem:$0x3FB4] =	sst s5  }
0xe: {  	[smem:$0x3FB5] =	sst s6  }
0xf: {  	[smem:$0x3FB6] =	sst s7  }
0x10: {  	[smem:$0x3FB7] =	sst s8  }
0x11: {  	[smem:$0x3FB8] =	sst s9;
	s0 =	simm.s32 @!p0 $0x0  }
0x12: {  	s1 =	sld [smem:$0x3F9E];
	s0 =	simm.s32 @p0 $0x1  }
0x13: {  	[smem:$0x3FB9] =	sst s0;
	s0 =	simm.s32 @!p1 $0x0  }
0x14: {  	s2 =	sld [smem:$0x3F9D];
	s0 =	simm.s32 @p1 $0x1  }
0x15: {  	[smem:$0x3FBA] =	sst s0;
	s0 =	simm.s32 @!p2 $0x0  }
0x16: {  	s3 =	sld [smem:$0x3FDB];
	s0 =	simm.s32 @p2 $0x1  }
0x17: {  	s4 =	simm.s32 $0x1BF5;
	[smem:$0x3FBC] =	sst s0  }
0x18: {  	s0 =	sld [smem:$0x3F9F];
	_ =	swait.ge [sflag:s4], $0x0  }
0x19: {  	s7 =	sld [smem:$0x3FA0]  }
0x1a: {  	s8 =	sadd.s32 $0xFFFFE003, lr  }
0x1b: {  	s9 =	sadd.s32 $0xFFFFFEF7, lr;
	s5 =	simm.s32 $0xFFFFFFFF;
	p2 =	slt.u32 s8, $0xFFFFF086  }
0x1c: {  	p1 =	slt.u32 s9, $0xF7A;
	s5 =	simm.s32 @!p2 $0x0  }
0x1d: {  	s5 =	simm.s32 @p1 $0x1;
	p0 =	seq.s32 s7, s2  }
0x1e: {  	s7 =	smul.u32 @!p0 $0xF7A, s2;
	p2 =	seq.s32 @!p0 s5, $0x0  }
0x1f: {  	s9 =	smul.u32 $0xF7A, s1;
	s8 =	simm.s32 @!p0 $0x1BF5;
	p2 =	por !p2, p0  }
0x20: {  	[sflag:s8] =	ssyncset.s32 @!p0 $0xFFFFF086;
	s6 =	sadd.s32 @!p0 s3, s7;
	s7 =	simm.s32 @!p0 $0x108  }
0x21: {  	s3 =	sadd.s32 s3, s9;
	s6 =	sadd.s32 @!p0 $0x88, s6;
	s7 =	simm.s32 @p2 $0x1082  }
0x22: {  	[simem:s7], [sflag:s8] =	dma.local @!p0 [hbm:s6], $0xF7A  }
0x23: {  	s9 =	sor.u32 $0xD0000000, s2;
	s6 =	simm.s32 $0x108;
	_ =	swait.ge @!p0 [sflag:s8], $0x0  }
0x24: {  	s3 =	sadd.s32 $0x88, s3;
	s6 =	simm.s32 @!p1 $0x1082;
	[sflag:s4] =	ssyncset.s32 $0xFFFFF086  }
0x25: {  	[simem:s6], [sflag:s4] =	dma.local [hbm:s3], $0xF7A  }
0x26: {  	[smem:$0x3FA0] =	sst s1;
	(tag) =	ssettag s2;
	_ =	strace s9  }
0x27: {  	s1 =	sld [smem:$0x3FB0]  }
0x28: {  	s2 =	sld [smem:$0x3FB1]  }
0x29: {  	s4 =	sld [smem:$0x3FB3]  }
0x2a: {  	p0 =	seq.s32 s5, $0x0;
	s5 =	sld [smem:$0x3FB4]  }
0x2b: {  	s6 =	sld [smem:$0x3FB5]  }
0x2c: {  	s7 =	sld [smem:$0x3FB6]  }
0x2d: {  	s3 =	simm.s32 $0x108;
	s8 =	sld [smem:$0x3FB7]  }
0x2e: {  	s3 =	simm.s32 @!p0 $0x1082;
	s9 =	sld [smem:$0x3FB8]  }
0x2f: {  	lr =	sadd.s32 s0, s3;
	s0 =	sld [smem:$0x3FAF]  }
0x30: {  	s3 =	sld [smem:$0x3FB2]  }
0x31: {  	[smem:$0x3FBB] =	sst s10  }
0x32: {  	s10 =	sld [smem:$0x3FB9];
	_ =	sdelay $0x3  }
0x33: {  	p0 =	seq.s32 s10, $0x1;
	s10 =	sld [smem:$0x3FBB];
	_ =	sdelay $0x3  }
0x34: {  	[smem:$0x3FBB] =	sst s10  }
0x35: {  	s10 =	sld [smem:$0x3FBA];
	_ =	sdelay $0x3  }
0x36: {  	p1 =	seq.s32 s10, $0x1;
	s10 =	sld [smem:$0x3FBB];
	_ =	sdelay $0x3  }
0x37: {  	[smem:$0x3FBB] =	sst s10  }
0x38: {  	s10 =	sld [smem:$0x3FBC]  }
0x39: {  	_ = 	snop;
	(pc) =	sbr.ind lr, $3  }
0x3a: {  	_ = 	snop  }
0x3b: {  	_ = 	snop  }
0x3c: {  	p2 =	seq.s32 s10, $0x1;
	s10 =	sld [smem:$0x3FBB]  }
0x3d: {  	_ =	shalt  }
0x3e: {  	_ =	shalt  }
0x3f: {  	_ =	shalt  }
0x40: {  	_ =	shalt  }
0x41: {  	_ =	shalt  }
0x42: {  	_ =	shalt  }
0x43: {  	_ =	shalt  }
0x44: {  	_ =	shalt  }
0x45: {  	_ =	shalt  }
0x46: {  	_ =	shalt  }
0x47: {  	_ =	shalt  }
0x48: {  	_ =	shalt  }
0x49: {  	_ =	shalt  }
0x4a: {  	_ =	shalt  }
0x4b: {  	_ =	shalt  }
0x4c: {  	_ =	shalt  }
0x4d: {  	_ =	shalt  }
0x4e: {  	_ =	shalt  }
0x4f: {  	_ =	shalt  }
0x50: {  	_ =	shalt  }
0x51: {  	_ =	shalt  }
0x52: {  	_ =	shalt  }
0x53: {  	_ =	shalt  }
0x54: {  	_ =	shalt  }
0x55: {  	_ =	shalt  }
0x56: {  	_ =	shalt  }
0x57: {  	_ =	shalt  }
0x58: {  	_ =	shalt  }
0x59: {  	_ =	shalt  }
0x5a: {  	_ =	shalt  }
0x5b: {  	_ =	shalt  }
0x5c: {  	_ =	shalt  }
0x5d: {  	_ =	shalt  }
0x5e: {  	_ =	shalt  }
0x5f: {  	_ =	shalt  }
0x60: {  	_ =	shalt  }
0x61: {  	_ =	shalt  }
0x62: {  	_ =	shalt  }
0x63: {  	_ =	shalt  }
0x64: {  	_ =	shalt  }
0x65: {  	_ =	shalt  }
0x66: {  	_ =	shalt  }
0x67: {  	_ =	shalt  }
0x68: {  	_ =	shalt  }
0x69: {  	_ =	shalt  }
0x6a: {  	_ =	shalt  }
0x6b: {  	_ =	shalt  }
0x6c: {  	_ =	shalt  }
0x6d: {  	_ =	shalt  }
0x6e: {  	_ =	shalt  }
0x6f: {  	_ =	shalt  }
0x70: {  	_ =	shalt  }
0x71: {  	_ =	shalt  }
0x72: {  	_ =	shalt  }
0x73: {  	_ =	shalt  }
0x74: {  	_ =	shalt  }
0x75: {  	_ =	shalt  }
0x76: {  	_ =	shalt  }
0x77: {  	_ =	shalt  }
0x78: {  	_ =	shalt  }
0x79: {  	_ =	shalt  }
0x7a: {  	_ =	shalt  }
0x7b: {  	_ =	shalt  }
0x7c: {  	_ =	shalt  }
0x7d: {  	_ =	shalt  }
0x7e: {  	_ =	shalt  }
0x7f: {  	_ =	shalt  }
0x80: {  	_ =	shalt  }
0x81: {  	_ =	shalt  }
0x82: {  	_ =	shalt  }
0x83: {  	_ =	shalt  }
0x84: {  	_ =	shalt  }
0x85: {  	_ =	shalt  }
0x86: {  	_ =	shalt  }
0x87: {  	_ =	shalt  }
.Lfunc_end0:
.L_simem_size_0:
called_computation_lowered:
.L_overlay_start_0:
0x88: {  	s2 =	sld [smem:$0x3FD9]  }
0x89: {  	s3 =	sld [smem:$0x3FFE];
	_ =	sdelay $0x1  }
0x8a: {  	s1 =	srdreg.scid  }
0x8b: {  	s0 =	sand.u32 $0x1, s1  }
0x8c: {  	s17 =	sshll.u32 s0, $0xA;
	s2 =	sadd.s32 s3, s2  }
0x8d: {  	s2 =	sadd.s32 s2, s17  }
0x8e: {  	[smem:$0x3FC7] =	sst s2  }
0x8f: {  	_ = 	snop  }
0x90: {  	s2 =	sld [smem:$0x3FC9];
	(tm) =	ssettm $0x1  }
0x91: {  	s18 =	sld [smem:$0x3FFB];
	_ =	sdelay $0x3  }
0x92: {  	_ =	strace s18  }
0x93: {  	s3 =	sld [smem:$0x3FFC];
	_ =	sdelay $0x3  }
0x94: {  	_ =	strace s3  }
0x95: {  	s3 =	sld [smem:$0x3FFD];
	_ =	sdelay $0x3  }
0x96: {  	_ =	strace s3  }
0x97: {  	_ =	strace $0x8FFFFFFF  }
0x98: {  	s19 =	sld [smem:$0x3FDB];
	_ =	sdelay $0x1  }
0x99: {  	s4 =	simm.s32 $_scs_section_size  }
0x9a: {  	s5 =	simm.s32 $_size__tile_overlayer_lowered;
	s6 =	simm.s32 $_tile_overlayer_lowered  }
0x9b: {  	s22 =	simm.s32 $0x1BFF;
	s21 =	sshll.u32 s6, $0x1;
	s3 =	sadd.s32 s4, s19  }
0x9c: {  	s7 =	simm.s32 $0x0;
	s20 =	sshll.u32 s5, $0x1;
	s5 =	sadd.s32 s21, s3  }
0x9d: {  	[timem:s7], [sflag:s22] =	dma.local [hbm:s5], s20  }
0x9e: {  	_ =	swait.ge [sflag:s22], s20  }
0x9f: {  	s4 =	ssub.s32 $0x0, s20;
	[sflag:s22] =	ssyncset.done $0x0  }
0xa0: {  	[sflag:s22] =	ssyncadd.s32 s4;
	_ =	sdelay $0x1  }
0xa1: {  	s23 =	simm.s32 $0x1B8B  }
0xa2: {  	_ =	swait.ge [sflag:s23], $0x1  }
0xa3: {  	[sflag:s23] =	ssyncset.done $0x0  }
0xa4: {  	s25 =	simm.s32 $0x1B8E;
	s24 =	sld [smem:$0x3FFE];
	[sflag:s23] =	ssyncadd.s32 $0xFFFFFFFF  }
0xa5: {  	s26 =	simm.s32 $execute0_lowered;
	[smem:$0x3FD2] =	sst s25  }
0xa6: {  	s5 =	sshll.u32 s26, $0x1;
	_ =	strace $0x80000046;
	[dreg:$0x1] =	wrdreg $0xFFFFFFFF  }
0xa7: {  	s28 =	simm.s32 $_size_execute0_lowered;
	s3 =	sadd.s32 s3, s5;
	[dreg:$0x0] =	wrdreg $0x0  }
0xa8: {  	s5 =	sshll.u32 s28, $0x1;
	[dreg:$0x2] =	wrdreg s3  }
0xa9: {  	[dreg:$0x3] =	wrdreg s5  }
0xaa: {  	[dreg:$0x4] =	wrdreg $0xC0  }
0xab: {  	_ =	task [dreg:s7], $0x5FFFF  }
0xac: {  	[dreg:$0x1] =	wrdreg $0xFFFFFFFF  }
0xad: {  	[dreg:$0x0] =	wrdreg $0x60  }
0xae: {  	[dreg:$0x2] =	wrdreg s2  }
0xaf: {  	[dreg:$0x3] =	wrdreg s24  }
0xb0: {  	[dreg:$0x4] =	wrdreg $0x9  }
0xb1: {  	_ =	task.clear_ibuf [dreg:s7], $0x5FFFF;
	_ =	strace $0x90000046  }
0xb2: {  	s29 =	simm.s32 $0x9;
	_ =	strace $0x80000048  }
0xb3: {  	_ =	swait.ge [sflag:s29], $0x1  }
0xb4: {  	[sflag:s29] =	ssyncadd.s32 $0xFFFFFFFF  }
0xb5: {  	_ =	strace $0x90000048  }
0xb6: {  	_ =	sfence  }
0xb7: {  	s30 =	sld [smem:$0x0];
	_ =	sdelay $0x2  }
0xb8: {  	s31 =	sshll.u32 s1, $0xD;
	s1 =	sshrl.u32 s1, $0x2  }
0xb9: {  	s3 =	sand.u32 $0x4000, s31;
	s1 =	sadd.s32 s1, s30  }
0xba: {  	s0 =	sor.u32 s3, s0;
	s1 =	sshll.u32 s1, $0x11  }
0xbb: {  	s0 =	sor.u32 s1, s0  }
0xbc: {  	s0 =	sadd.s32 $0x8F2B, s0  }
0xbd: {  	[sflag:s0] =	ssyncadd.remote.s32 $0x1  }
0xbe: {  	_ =	sfence.sel $0xFFFF  }
0xbf: {  	[dreg:$0x0] =	wrdreg $0xFFFFFFFF;
	(pc) =	sbr.abs _section_cstart, $3  }
0xc0: {  	[dreg:$0x1] =	wrdreg $0xFFFFFFFF  }
0xc1: {  	_ =	task.clear_ibuf [dreg:s7], $0x2FFFF;
	_ =	strace $0x9FFFFFFF  }
0xc2: {  	(tm) =	ssettm $0x7FFFFFFF  }
0xc3: {  	_ =	shalt  }
tec
execute0_lowered:
.L_overlay_start_1:
0x0: {  	(tag) =	ssettag $0x1  }
0x1: {  	s0 =	srdreg.scid;
	s1 =	stileid.u32  }
0x2: {  	s3 =	rddreg [dreg:$0x0];
	s0 =	sand.u32 $0x1, s0;
	s1 =	sshll.u32 s1, $0x1  }
0x3: {  	s4 =	rddreg [dreg:$0x1];
	s8 =	simm.s32 $0x0;
	s1 =	sor.u32 s0, s1  }
0x4: {  	[smem:$0x7FF] =	sst s8;
	s2 =	smul.u32 $0xF, s1  }
0x5: {  	s7 =	sadd.s32 $0x600, s4;
	s31 =	sadd.s32 $0x66B, s4;
	_ =	strace $0x80000047  }
0x6: {  	[dreg:$0xb] =	wrdreg s7;
	s0 =	ssub.s32 $0x2, s0;
	s5 =	sand.u32 $0x1F8, s2  }
0x7: {  	[dreg:$0x11] =	wrdreg s31;
	s1 =	sshll.u32 s1, $0x1;
	s5 =	smin.u32 s5, $0x1C8  }
0x8: {  	v0 =	vimm.s32 $0x543210FE;
	v1 =	vimm.s32 $0xDCBA9876;
	s28 =	sshrl.u32 s0, $0x1;
	s1 =	sadd.s32 s1, s4;
	s6 =	sshrl.u32 s5, $0x3  }
0x9: {  	v2 =	vimm.s32 $0x98765432;
	v3 =	vimm.s32 $0x10FEDCBA;
	v0 =	vunpack.c.l.s4.s8 v0;
	s0 =	ssub.s32 s0, s28;
	s1 =	sadd.s32 $0x800, s1;
	s6 =	smul.u32 $0x1C00, s6  }
0xa: {  	v1 =	vunpack.c.l.s4.s8 v1;
	v2 =	vunpack.c.l.s4.s8 v2;
	v3 =	vunpack.c.l.s4.s8 v3;
	s0 =	smax.u32 s0, $0x1;
	[dreg:$0x12] =	wrdreg s1  }
0xb: {  	v0 =	vunpack.c.0.s8.s32 v0;
	[dreg:$0x13] =	wrdreg s0;
	s2 =	ssub.s32 s2, s5;
	s6 =	sshrl.u32 s6, $0x3  }
0xc: {  	v1 =	vunpack.c.0.s8.s32 v1;
	v2 =	vunpack.c.0.s8.s32 v2;
	v3 =	vunpack.c.0.s8.s32 v3;
	[dreg:$0xc] =	wrdreg s2;
	s29 =	sadd.s32 s3, s6  }
0xd: {  	s3 =	sadd.s32 $0xD200, s29;
	[dreg:$0xd] =	wrdreg s29  }
0xe: {  	v1 =	vcombine.low v1, v0;
	v2 =	vcombine.low v3, v2;
	s30 =	sadd.s32 $0x1A400, s29;
	[dreg:$0xe] =	wrdreg s3  }
0xf: {  	vm0 =	vmmov $0x3ff;
	s2 =	sadd.s32 $0x27600, s29;
	[dreg:$0xf] =	wrdreg s30  }
0x10: {  	v0 =	vimm.f32 $1.000000000e+00;
	v1 =	vand.u32 $0xF, v1;
	v2 =	vand.u32 $0xF, v2;
	[dreg:$0x10] =	wrdreg s2;
	s2 =	simm.s32 $0x0  }
.LBB2_1:
0x11: {  	[dreg:$0x14] =	wrdreg s2  }
0x12: {  	s0 =	rddreg [dreg:$0xd]  }
0x13: {  	[tilespmem:s8], [sflag:$0x1] =	stream.linear.gather [hbm4b:s0+s8], $0x5400, $0x38;
	[tilespmem:$0x1BC80] =	vst v63  }
0x14: {  	s21 =	rddreg [dreg:$0xe];
	s1 =	simm.s32 $0x5400  }
0x15: {  	[tilespmem:s1], [sflag:$0x1] =	stream.linear.gather [hbm4b:s21+s8], $0x5400, $0x38;
	[tilespmem:$0x1BC80] =	vst v63  }
0x16: {  	s22 =	rddreg [dreg:$0xf];
	s23 =	simm.s32 $0xA800  }
0x17: {  	[tilespmem:s23], [sflag:$0x1] =	stream.linear.gather [hbm4b:s22+s8], $0x5400, $0x38;
	[tilespmem:$0x1BC80] =	vst v63  }
0x18: {  	s24 =	rddreg [dreg:$0x10];
	s25 =	simm.s32 $0xFC00  }
0x19: {  	[tilespmem:s25], [sflag:$0x1] =	stream.linear.gather [hbm4b:s24+s8], $0x5400, $0x38;
	[tilespmem:$0x1BC80] =	vst v63  }
0x1a: {  	s26 =	rddreg [dreg:$0xb];
	s28 =	simm.s32 $0x1B500  }
0x1b: {  	[tilespmem:s28], [sflag:$0x1] =	stream.linear.gather [hbm4b:s26+s8], $0x358, $0x38;
	[tilespmem:$0x1BC80] =	vst v63  }
0x1c: {  	s29 =	rddreg [dreg:$0x11];
	s30 =	simm.s32 $0x1B880;
	s31 =	simm.s32 $0x1  }
0x1d: {  	[tilespmem:s30], [sflag:$0x1] =	stream.linear.gather [hbm4b:s29+s8], $0x358, $0x38;
	[tilespmem:$0x1BC80] =	vst v63  }
0x1e: {  	_ =	swait.ge [sflag:s31], $0x5400  }
0x1f: {  	[sflag:s31] =	ssyncset.done $0x0  }
0x20: {  	[sflag:s31] =	ssyncadd.s32 $0xFFFFAC00  }
0x21: {  	_ =	swait.ge [sflag:s31], $0x5400  }
0x22: {  	[sflag:s31] =	ssyncset.done $0x0  }
0x23: {  	[sflag:s31] =	ssyncadd.s32 $0xFFFFAC00  }
0x24: {  	_ =	swait.ge [sflag:s31], $0x5400  }
0x25: {  	[sflag:s31] =	ssyncset.done $0x0  }
0x26: {  	[sflag:s31] =	ssyncadd.s32 $0xFFFFAC00  }
0x27: {  	_ =	swait.ge [sflag:s31], $0x5400  }
0x28: {  	[sflag:s31] =	ssyncset.done $0x0  }
0x29: {  	[sflag:s31] =	ssyncadd.s32 $0xFFFFAC00  }
0x2a: {  	_ =	swait.ge [sflag:s31], $0x358  }
0x2b: {  	[sflag:s31] =	ssyncset.done $0x0  }
0x2c: {  	[sflag:s31] =	ssyncadd.s32 $0xFFFFFCA8  }
0x2d: {  	_ =	swait.ge [sflag:s31], $0x358  }
0x2e: {  	[sflag:s31] =	ssyncset.done $0x0  }
0x2f: {  	v5 =	vimm.f32 $0.0e+00;
	[sflag:s31] =	ssyncadd.s32 $0xFFFFFCA8  }
0x30: {  	[tilespmem:$0x15356] =	vst v5  }
0x31: {  	[tilespmem:$0x185D6] =	vst v0  }
0x32: {  	[tilespmem:$0x156AC] =	vst v5  }
0x33: {  	[tilespmem:$0x1892C] =	vst v0  }
0x34: {  	[tilespmem:$0x15A02] =	vst v5  }
0x35: {  	[tilespmem:$0x18C82] =	vst v0  }
0x36: {  	[tilespmem:$0x15D58] =	vst v5  }
0x37: {  	[tilespmem:$0x18FD8] =	vst v0  }
0x38: {  	[tilespmem:$0x160AE] =	vst v5  }
0x39: {  	[tilespmem:$0x1932E] =	vst v0  }
0x3a: {  	[tilespmem:$0x16404] =	vst v5  }
0x3b: {  	[tilespmem:$0x19684] =	vst v0  }
0x3c: {  	[tilespmem:$0x1675A] =	vst v5  }
0x3d: {  	[tilespmem:$0x199DA] =	vst v0  }
0x3e: {  	[tilespmem:$0x16AB0] =	vst v5  }
0x3f: {  	[tilespmem:$0x19D30] =	vst v0  }
0x40: {  	[tilespmem:$0x16E06] =	vst v5  }
0x41: {  	[tilespmem:$0x1A086] =	vst v0  }
0x42: {  	[tilespmem:$0x1715C] =	vst v5  }
0x43: {  	[tilespmem:$0x1A3DC] =	vst v0  }
0x44: {  	[tilespmem:$0x174B2] =	vst v5  }
0x45: {  	[tilespmem:$0x1A732] =	vst v0  }
0x46: {  	[tilespmem:$0x17808] =	vst v5  }
0x47: {  	[tilespmem:$0x1AA88] =	vst v0  }
0x48: {  	[tilespmem:$0x17B5E] =	vst v5  }
0x49: {  	[tilespmem:$0x1ADDE] =	vst v0  }
0x4a: {  	[tilespmem:$0x17EB4] =	vst v5  }
0x4b: {  	[tilespmem:$0x1B134] =	vst v0  }
0x4c: {  	[tilespmem:$0x1820A] =	vst v5  }
0x4d: {  	s9 =	simm.s32 $0x15331;
	v6 =	vimm.f32 $0.0e+00;
	s2 =	simm.s32 $0x0;
	s8 =	simm.s32 $0x185B1;
	[tilespmem:$0x1B48A] =	vst v0  }
.LBB2_2:
0x4e: {  	s0 =	rddreg [dreg:$0xc]  }
0x4f: {  	s0 =	sadd.s32 s0, s2  }
0x50: {  	s1 =	sshrl.u32 s0, $0x3  }
0x51: {  	s1 =	smul.u32 $0x7000, s1  }
0x52: {  	s0 =	sshll.u32 s0, $0x7  }
0x53: {  	s0 =	sand.u32 $0x380, s0;
	s1 =	sshra.s32 s1, $0x2  }
0x54: {  	s19 =	sor.u32 s0, s1  }
0x55: {  	v3 =	vld [tilespmem:s19+$0x1840]  }
0x56: {  	v4 =	vld.msk [tilespmem:s19+$0x1850], $0x3f  }
0x57: {  	v9 =	vld [tilespmem:s19+$0x6C40]  }
0x58: {  	v10 =	vld.msk [tilespmem:s19+$0x6C50], $0x3f  }
0x59: {  	v11 =	vld [tilespmem:s19+$0xC040]  }
0x5a: {  	v12 =	vld.msk [tilespmem:s19+$0xC050], $0x3f;
	s1 =	sadd.s32 $0x11400, s19  }
0x5b: {  	v13 =	vld [tilespmem:s1+$0x40];
	s18 =	sor.u32 $0x50, s1  }
0x5c: {  	v14 =	vld.msk [tilespmem:s18+$0x0], $0x3f;
	_ =	sdelay $0x2  }
0x5d: {  	v7 =	vmax.f32 v3, v9;
	v15 =	vmax.f32 v4, v10  }
0x5e: {  	v3 =	vmin.f32 v3, v9;
	v4 =	vmin.f32 v4, v10;
	v8 =	vmax.f32 v11, v13  }
0x5f: {  	v9 =	vmin.f32 v11, v13;
	v16 =	vmax.f32 v12, v14;
	v7 =	vmax.f32 v7, v8  }
0x60: {  	v10 =	vmin.f32 v12, v14;
	v9 =	vmin.f32 v3, v9;
	v8 =	vmax.f32 v15, v16  }
0x61: {  	v15 =	vperm.xlane v7, v1;
	v10 =	vmin.f32 v4, v10;
	v11 =	vperm.xlane v8, v1  }
0x62: {  	s20 =	smul.u32 $0x356, s2;
	v3 =	vperm.xlane v9, v1;
	v4 =	vperm.xlane v10, v1  }
0x63: {  	v11 =	vsel vm0, v15, v11  }
0x64: {  	v3 =	vsel vm0, v3, v4;
	[tilespmem:s20+$0x15346] =	vst v11  }
0x65: {  	[tilespmem:s20+$0x185C6] =	vst v3  }
0x66: {  	v3 =	vld [tilespmem:s19+$0x1830]  }
0x67: {  	v4 =	vld.msk [tilespmem:s19+$0x1840], $0x3f  }
0x68: {  	v13 =	vld [tilespmem:s19+$0x6C30]  }
0x69: {  	v14 =	vld.msk [tilespmem:s19+$0x6C40], $0x3f  }
0x6a: {  	v15 =	vld [tilespmem:s19+$0xC030]  }
0x6b: {  	v16 =	vld.msk [tilespmem:s19+$0xC040], $0x3f  }
0x6c: {  	s23 =	sor.u32 $0x40, s1;
	v17 =	vld [tilespmem:s1+$0x30]  }
0x6d: {  	v18 =	vld.msk [tilespmem:s23+$0x0], $0x3f;
	_ =	sdelay $0x3  }
0x6e: {  	v11 =	vmax.f32 v3, v13;
	v12 =	vmax.f32 v15, v17  }
0x6f: {  	v19 =	vmax.f32 v4, v14;
	v20 =	vmax.f32 v16, v18;
	v3 =	vmin.f32 v3, v13  }
0x70: {  	[dreg:$0x17] =	wrdreg s2;
	s24 =	simm.s32 $0x1980;
	s25 =	simm.s32 $0x330;
	v4 =	vmin.f32 v4, v14;
	v13 =	vmin.f32 v15, v17;
	v14 =	vmin.f32 v16, v18  }
0x71: {  	s6 =	simm.s32 $0x320;
	s30 =	simm.s32 $0x1900;
	s28 =	simm.s32 $0xFFFFFF00;
	v12 =	vmax.f32 v11, v12;
	v11 =	vmax.f32 v19, v20;
	v13 =	vmin.f32 v3, v13  }
0x72: {  	s10 =	simm.s32 $0x1880;
	s11 =	simm.s32 $0x310;
	[dreg:$0x16] =	wrdreg s9;
	v14 =	vmin.f32 v4, v14;
	v19 =	vperm.xlane v12, v1;
	v16 =	vperm.xlane v11, v1  }
0x73: {  	s17 =	simm.s32 $0x300;
	[dreg:$0x15] =	wrdreg s8;
	s16 =	simm.s32 $0x1780;
	v15 =	vld [tilespmem:s20+$0x15347];
	v4 =	vperm.xlane v13, v1;
	v17 =	vperm.xlane v14, v1  }
0x74: {  	s3 =	sand.u32 $0x70, s25;
	s23 =	sadd.s32 $0xFC00, s19;
	s1 =	sand.u32 $0x1C00, s24;
	v3 =	vld [tilespmem:s20+$0x185C7];
	v16 =	vsel vm0, v19, v16  }
0x75: {  	s12 =	sand.u32 $0x1C00, s10;
	s22 =	sadd.s32 $0xA800, s19;
	s26 =	sadd.s32 s1, s23;
	v18 =	vld [tilespmem:$0x1BBC6];
	v4 =	vsel vm0, v4, v17;
	[tilespmem:s20+$0x15336] =	vst v16  }
0x76: {  	s25 =	sand.u32 $0x60, s6;
	s4 =	sadd.s32 s1, s22;
	s2 =	sadd.s32 s3, s26;
	[tilespmem:s20+$0x185B6] =	vst v4  }
0x77: {  	s21 =	sadd.s32 $0x5400, s19;
	s5 =	sadd.s32 s1, s19;
	s4 =	sadd.s32 s3, s4;
	v17 =	vld [tilespmem:s2+$0x0]  }
0x78: {  	[dreg:$0x3] =	wrdreg s19;
	s7 =	sadd.s32 s1, s21;
	s5 =	sadd.s32 s3, s5;
	v19 =	vld [tilespmem:s4+$0x0]  }
0x79: {  	s13 =	sadd.s32 s12, s19;
	[dreg:$0x4] =	wrdreg s21;
	s3 =	sadd.s32 s3, s7;
	v4 =	vperm.xlane v15, v2;
	v15 =	vperm.xlane v3, v2;
	v58 =	vld [tilespmem:s5+$0x0]  }
0x7a: {  	s14 =	sadd.s32 s12, s22;
	[dreg:$0x5] =	wrdreg s22;
	s18 =	simm.s32 $0x2F0;
	v22 =	vld [tilespmem:s3+$0x0]  }
0x7b: {  	s1 =	simm.s32 $0xFFFFFF80;
	[dreg:$0x6] =	wrdreg s23;
	s7 =	simm.s32 $0x1800;
	v3 =	vmax.f32 v7, v4;
	v21 =	vmin.f32 v9, v15  }
0x7c: {  	s15 =	sand.u32 $0x1C00, s7;
	s7 =	sand.u32 $0x70, s18;
	s18 =	simm.s32 $0x2D0;
	v16 =	vld [tilespmem:s20+$0x15337];
	v21 =	vsub.f32 v3, v21;
	v3 =	vmov s9  }
0x7d: {  	s2 =	sand.u32 $0x1C00, s30;
	v24 =	vld [tilespmem:s20+$0x185B7];
	s3 =	sand.u32 $0x70, s11;
	s5 =	sadd.s32 s12, s21;
	v23 =	vmax.f32 v8, v4;
	v4 =	vmov s8  }
0x7e: {  	s4 =	sadd.s32 s12, s23;
	s20 =	sadd.s32 s3, s13;
	s13 =	sadd.s32 s3, s5;
	v15 =	vmin.f32 v10, v15  }
0x7f: {  	s0 =	sadd.s32 s3, s14;
	s4 =	sadd.s32 s3, s4;
	s3 =	sand.u32 $0x1C00, s16;
	v15 =	vsub.f32 v23, v15;
	v59 =	vmax.f32 v58, v22;
	v25 =	vmax.f32 v19, v17  }
0x80: {  	s5 =	simm.s32 $0x0;
	s26 =	sadd.s32 s2, s23;
	s11 =	sadd.s32 s2, s22;
	v17 =	vmin.f32 v19, v17;
	v20 =	vmin.f32 v58, v22;
	v23 =	vmax.f32 v59, v25  }
0x81: {  	s6 =	sadd.s32 s2, s19;
	s2 =	sadd.s32 s2, s21;
	s16 =	simm.s32 $0x1680;
	v16 =	vperm.xlane v16, v2;
	v19 =	vld [tilespmem:$0x1BBB6];
	v20 =	vmin.f32 v20, v17;
	[tilespmem:v3+s5+$0xFFFFFFFF ss:$0x1] =	vst.idx.msk $0xffff, v23  }
0x82: {  	s24 =	sadd.s32 s3, s19;
	s10 =	sadd.s32 s3, s21;
	s12 =	sadd.s32 s25, s26;
	v21 =	vmax.f32 v21, $0.0e+00;
	v15 =	vmax.f32 v15, $0.0e+00;
	v60 =	vperm.xlane v24, v2;
	[tilespmem:v4+s5+$0xFFFFFFFF ss:$0x1] =	vst.idx.msk $0xffff, v20  }
0x83: {  	s11 =	sadd.s32 s25, s11;
	s14 =	sadd.s32 s3, s22;
	s8 =	sadd.s32 s25, s6;
	v21 =	vperm.xlane v21, v1;
	v15 =	vperm.xlane v15, v1;
	v17 =	vmax.f32 v12, v16;
	v61 =	vld [tilespmem:s12+$0x0]  }
0x84: {  	s3 =	sadd.s32 s3, s23;
	s2 =	sadd.s32 s25, s2;
	s30 =	sadd.s32 s7, s24;
	v16 =	vmax.f32 v11, v16;
	v24 =	vmin.f32 v13, v60;
	v22 =	vmin.f32 v14, v60;
	v62 =	vld [tilespmem:s11+$0x0]  }
0x85: {  	s9 =	sadd.s32 s7, s10;
	s24 =	sand.u32 $0x1C00, s16;
	s16 =	simm.s32 $0x1580;
	v17 =	vsub.f32 v17, v24;
	v16 =	vsub.f32 v16, v22;
	v15 =	vsel vm0, v21, v15;
	v63 =	vld [tilespmem:s8+$0x0]  }
0x86: {  	v7 =	vsub.f32 v7, v9;
	[dreg:$0x9] =	wrdreg s30;
	s25 =	sadd.s32 s24, s19;
	s26 =	sadd.s32 s24, s21;
	v15 =	vmul.f32 v15, v18;
	v18 =	vld [tilespmem:s2+$0x0]  }
0x87: {  	v10 =	vsub.f32 v8, v10;
	s30 =	sadd.s32 s24, s22;
	s10 =	sadd.s32 s24, s23;
	v17 =	vmax.f32 v17, $0.0e+00;
	v16 =	vmax.f32 v16, $0.0e+00;
	s11 =	sadd.s32 s7, s14  }
0x88: {  	v12 =	vsub.f32 v12, v13;
	s8 =	sand.u32 $0x70, s18;
	s2 =	sadd.s32 s7, s3;
	s14 =	simm.s32 $0x2B0;
	v17 =	vperm.xlane v17, v1;
	v16 =	vperm.xlane v16, v1  }
0x89: {  	v7 =	vmax.f32 v7, $0.0e+00;
	v10 =	vmax.f32 v10, $0.0e+00;
	v14 =	vsub.f32 v11, v14;
	s12 =	sand.u32 $0x1C00, s16;
	s6 =	sadd.s32 s8, s25;
	s3 =	sadd.s32 s8, s26  }
0x8a: {  	v12 =	vmax.f32 v12, $0.0e+00;
	v13 =	vperm.xlane v15, v2;
	s18 =	sadd.s32 s8, s30;
	s16 =	sand.u32 $0x70, s14;
	s19 =	sadd.s32 s12, s19;
	v8 =	vsel vm0, v17, v16  }
0x8b: {  	s8 =	sadd.s32 s8, s10;
	s21 =	sadd.s32 s12, s21;
	s22 =	sadd.s32 s12, s22;
	v15 =	vmul.f32 v8, v19;
	v8 =	vld [tilespmem:s5+$0x1BBB0];
	v9 =	vmax.f32 v62, v61;
	v16 =	vmax.f32 v63, v18  }
0x8c: {  	s24 =	sadd.s32 s12, s23;
	s26 =	simm.s32 $0x1700;
	s30 =	simm.s32 $0x1600;
	v19 =	vld.idx.msk [tilespmem:v3+s5+$0x0 ss:$0x1], $0xffff;
	v11 =	vmin.f32 v62, v61;
	v17 =	vmin.f32 v63, v18;
	v9 =	vmax.f32 v16, v9  }
0x8d: {  	s12 =	simm.s32 $0xFFFFFE00;
	s23 =	simm.s32 $0x1500;
	[dreg:$0x8] =	wrdreg s3;
	v18 =	vld.idx.msk [tilespmem:v4+s5+$0x0 ss:$0x1], $0xffff;
	v11 =	vmin.f32 v17, v11;
	v15 =	vperm.xlane v15, v2;
	[tilespmem:v3+s5+$0xFFFFFFEF ss:$0x1] =	vst.idx.msk $0xffff, v9  }
0x8e: {  	s14 =	simm.s32 $0x2A0;
	[dreg:$0xa] =	wrdreg s18;
	s29 =	sadd.s32 s16, s19;
	v7 =	vadd.f32 v13, v7;
	v10 =	vadd.f32 v13, v10;
	v13 =	vmax.f32 v14, $0.0e+00;
	[tilespmem:v4+s5+$0xFFFFFFEF ss:$0x1] =	vst.idx.msk $0xffff, v11  }
0x8f: {  	s18 =	sadd.s32 s16, s21;
	s25 =	sadd.s32 s16, s22;
	s16 =	sadd.s32 s16, s24;
	v12 =	vadd.f32 v15, v12;
	v15 =	vadd.f32 v15, v13;
	v13 =	vld [tilespmem:s4+$0x0]  }
0x90: {  	s19 =	simm.s32 $0xFFFFFE80;
	s21 =	sand.u32 $0x1C00, s26;
	s10 =	sand.u32 $0x1C00, s30;
	v6 =	vmax.f32 v6, v7;
	v7 =	vmax.f32 v5, v10;
	v14 =	vld [tilespmem:s0+$0x0]  }
0x91: {  	s22 =	simm.s32 $0xFFFFFD80;
	s31 =	sand.u32 $0x1C00, s23;
	s24 =	simm.s32 $0x2A0;
	v10 =	vsub.f32 v9, v11;
	v16 =	vld [tilespmem:s20+$0x0];
	v5 =	vmax.f32 v6, v12;
	v6 =	vmax.f32 v7, v15  }
0x92: {  	[dreg:$0x7] =	wrdreg s25;
	s4 =	simm.s32 $0x2E0;
	s20 =	simm.s32 $0x2C0;
	v17 =	vld [tilespmem:s13+$0x0];
	v7 =	vsub.f32 v23, v20;
	v12 =	vmin.f32 v20, v18;
	v15 =	vmax.f32 v23, v19  }
.LBB2_3:
0x93: {  	v12 =	vsub.f32 v15, v12;
	v15 =	vld.idx.msk [tilespmem:v4+s5+$0xFFFFFFF0 ss:$0x1], $0xffff  }
0x94: {  	v18 =	vld.idx.msk [tilespmem:v3+s5+$0xFFFFFFF0 ss:$0x1], $0xffff  }
0x95: {  	s25 =	smov.u32 s22;
	v20 =	vld [tilespmem:s5+$0x1BBA0];
	s5 =	sshra.s32 s1, $0x2;
	s3 =	smov.u32 s14  }
0x96: {  	s14 =	smov.u32 s28;
	s0 =	smov.u32 s19;
	s17 =	sand.u32 $0x60, s17;
	v12 =	vmax.f32 v12, $0.0e+00;
	v19 =	vmin.f32 v14, v13  }
0x97: {  	s1 =	rddreg [dreg:$0x6];
	s19 =	smov.u32 s12;
	s7 =	smov.u32 s6;
	v8 =	vmul.f32 v12, v8;
	v13 =	vmax.f32 v14, v13;
	v12 =	vmax.f32 v16, v17  }
0x98: {  	s6 =	smov.u32 s16;
	s16 =	smov.u32 s31;
	s31 =	rddreg [dreg:$0x5];
	v21 =	vmax.f32 v12, v13;
	v12 =	vmin.f32 v16, v17  }
0x99: {  	s13 =	smov.u32 s29;
	s29 =	rddreg [dreg:$0x3];
	v7 =	vmax.f32 v7, $0.0e+00;
	s26 =	sadd.s32 s15, s1;
	v12 =	vmin.f32 v12, v19;
	[tilespmem:v3+s5+$0xFFFFFFFF ss:$0x1] =	vst.idx.msk $0xffff, v21  }
0x9a: {  	s30 =	rddreg [dreg:$0x4];
	s28 =	sadd.s32 s15, s31;
	s26 =	sadd.s32 s17, s26;
	v8 =	vadd.f32 v8, v7;
	[tilespmem:v4+s5+$0xFFFFFFFF ss:$0x1] =	vst.idx.msk $0xffff, v12  }
0x9b: {  	s12 =	smov.u32 s25;
	s25 =	sadd.s32 s15, s29;
	s28 =	sadd.s32 s17, s28;
	v9 =	vmax.f32 v9, v18;
	v11 =	vmin.f32 v11, v15;
	v13 =	vld [tilespmem:s26+$0x0]  }
0x9c: {  	s23 =	sadd.s32 $0xFFFFFF00, s23;
	s15 =	sadd.s32 s15, s30;
	s25 =	sadd.s32 s17, s25;
	v14 =	vperm.xlane v8, v2;
	v8 =	vsub.f32 v9, v11;
	v9 =	vld [tilespmem:s28+$0x0]  }
0x9d: {  	p0 =	sne.s32 s22, $0xFFFFF380;
	s15 =	sadd.s32 s17, s15;
	s17 =	sadd.s32 $0x80, s23;
	v11 =	vld [tilespmem:s25+$0x0]  }
0x9e: {  	s24 =	sadd.s32 $0xFFFFFFE0, s24;
	s17 =	sand.u32 $0x1C00, s17;
	s26 =	sand.u32 $0x1C00, s23;
	v15 =	vld [tilespmem:s15+$0x0]  }
0x9f: {  	s25 =	sadd.s32 $0x10, s24;
	s15 =	smov.u32 s21;
	s28 =	sadd.s32 s17, s30;
	v8 =	vmax.f32 v8, $0.0e+00  }
0xa0: {  	s21 =	sand.u32 $0x70, s25;
	s25 =	sadd.s32 s17, s29;
	s29 =	sadd.s32 s17, s31;
	v8 =	vmul.f32 v8, v20  }
0xa1: {  	v10 =	vmax.f32 v10, $0.0e+00;
	s17 =	sadd.s32 s17, s1;
	s31 =	smov.u32 s26;
	s26 =	rddreg [dreg:$0x7]  }
0xa2: {  	s25 =	sadd.s32 s21, s25;
	s28 =	sadd.s32 s21, s28;
	s29 =	sadd.s32 s21, s29;
	v10 =	vadd.f32 v8, v10  }
0xa3: {  	v18 =	vld.idx.msk [tilespmem:v4+s5+$0x0 ss:$0x1], $0xffff;
	s30 =	sadd.s32 s21, s17;
	s21 =	smov.u32 s10;
	s10 =	smov.u32 s16;
	v16 =	vmax.f32 v9, v13;
	v13 =	vmin.f32 v9, v13;
	v9 =	vmax.f32 v11, v15  }
0xa4: {  	s16 =	smov.u32 s30;
	s30 =	smov.u32 s26;
	s26 =	smov.u32 s29;
	v8 =	vld [tilespmem:s5+$0x1BBB0];
	v17 =	vperm.xlane v10, v2;
	v10 =	vmin.f32 v11, v15;
	v9 =	vmax.f32 v9, v16  }
0xa5: {  	s22 =	sadd.s32 $0xFFFFFF80, s22;
	s1 =	smov.u32 s14;
	[dreg:$0x7] =	wrdreg s26;
	v15 =	vld.idx.msk [tilespmem:v3+s5+$0x0 ss:$0x1], $0xffff;
	v11 =	vmin.f32 v10, v13;
	[tilespmem:v3+s5+$0xFFFFFFEF ss:$0x1] =	vst.idx.msk $0xffff, v9  }
0xa6: {  	s14 =	smov.u32 s24;
	s17 =	smov.u32 s4;
	s26 =	rddreg [dreg:$0x8];
	[tilespmem:v4+s5+$0xFFFFFFEF ss:$0x1] =	vst.idx.msk $0xffff, v11  }
0xa7: {  	v13 =	vld [tilespmem:s2+$0x0];
	s2 =	smov.u32 s8;
	s8 =	smov.u32 s6;
	s6 =	rddreg [dreg:$0xa]  }
.Ltmp0:
0xa8: {  	s4 =	smov.u32 s20;
	[dreg:$0xa] =	wrdreg s30;
	(pc) =	sbr.rel @p0 .LBB2_3-.Ltmp0, $4  }
0xa9: {  	v6 =	vmax.f32 v6, v14;
	v5 =	vmax.f32 v5, v14;
	s20 =	smov.u32 s3;
	s29 =	smov.u32 s25;
	v14 =	vld [tilespmem:s11+$0x0];
	s30 =	rddreg [dreg:$0x9]  }
0xaa: {  	v5 =	vmax.f32 v5, v17;
	v6 =	vmax.f32 v6, v17;
	v17 =	vld [tilespmem:s9+$0x0];
	s9 =	smov.u32 s26;
	s11 =	smov.u32 s6;
	s6 =	smov.u32 s7  }
0xab: {  	v7 =	vsub.f32 v21, v12;
	v16 =	vld [tilespmem:s30+$0x0];
	s30 =	smov.u32 s18;
	s18 =	smov.u32 s28;
	[dreg:$0x9] =	wrdreg s6  }
0xac: {  	v12 =	vmin.f32 v12, v18;
	v10 =	vsub.f32 v9, v11;
	s28 =	smov.u32 s0;
	s6 =	smov.u32 s13;
	v15 =	vmax.f32 v21, v15;
	[dreg:$0x8] =	wrdreg s30  }
0xad: {  	_ =	sdelay $0x3  }
0xae: {  	v18 =	vld.idx.msk [tilespmem:v4+s5+$0xFFFFFFF0 ss:$0x1], $0xffff;
	v21 =	vmax.f32 v14, v13;
	v20 =	vmax.f32 v16, v17  }
0xaf: {  	v19 =	vld.idx.msk [tilespmem:v3+s5+$0xFFFFFFF0 ss:$0x1], $0xffff;
	s1 =	sshra.s32 s1, $0x2;
	s26 =	rddreg [dreg:$0x6];
	v44 =	vmin.f32 v14, v13;
	v45 =	vmin.f32 v16, v17;
	v14 =	vmax.f32 v20, v21  }
0xb0: {  	v22 =	vld [tilespmem:s5+$0x1BBA0];
	s5 =	sand.u32 $0x60, s17;
	s25 =	rddreg [dreg:$0x5];
	s30 =	sadd.s32 s15, s26;
	v16 =	vmin.f32 v45, v44;
	[tilespmem:v3+s1+$0xFFFFFFFF ss:$0x1] =	vst.idx.msk $0xffff, v14  }
0xb1: {  	s23 =	rddreg [dreg:$0x3];
	s22 =	sadd.s32 s15, s25;
	s17 =	sadd.s32 s5, s30;
	[tilespmem:v4+s1+$0xFFFFFFFF ss:$0x1] =	vst.idx.msk $0xffff, v16  }
0xb2: {  	s24 =	rddreg [dreg:$0x4];
	s3 =	sadd.s32 s15, s23;
	s0 =	sadd.s32 s5, s22;
	v46 =	vld [tilespmem:s17+$0x0]  }
0xb3: {  	s7 =	sadd.s32 s15, s24;
	s13 =	sadd.s32 s5, s3;
	v47 =	vld [tilespmem:s0+$0x0]  }
0xb4: {  	s5 =	sadd.s32 s5, s7;
	v48 =	vld [tilespmem:s13+$0x0]  }
0xb5: {  	v49 =	vld [tilespmem:s5+$0x0];
	_ =	sdelay $0x4  }
0xb6: {  	v23 =	vld [tilespmem:s1+$0x1BBB0];
	v24 =	vmax.f32 v47, v46;
	v26 =	vmax.f32 v48, v49  }
0xb7: {  	v25 =	vld.idx.msk [tilespmem:v4+s1+$0x0 ss:$0x1], $0xffff;
	v13 =	vmin.f32 v47, v46;
	v50 =	vmin.f32 v48, v49;
	v21 =	vmax.f32 v26, v24  }
0xb8: {  	v20 =	vld.idx.msk [tilespmem:v3+s1+$0x0 ss:$0x1], $0xffff;
	v17 =	vmin.f32 v50, v13;
	[tilespmem:v3+s1+$0xFFFFFFEF ss:$0x1] =	vst.idx.msk $0xffff, v21  }
0xb9: {  	[tilespmem:v4+s1+$0xFFFFFFEF ss:$0x1] =	vst.idx.msk $0xffff, v17  }
0xba: {  	v51 =	vld [tilespmem:s2+$0x0]  }
0xbb: {  	s0 =	rddreg [dreg:$0x9];
	v52 =	vld [tilespmem:s11+$0x0]  }
0xbc: {  	v53 =	vld [tilespmem:s0+$0x0]  }
0xbd: {  	v27 =	vld [tilespmem:s9+$0x0];
	_ =	sdelay $0x4  }
0xbe: {  	v28 =	vld.idx.msk [tilespmem:v4+s1+$0xFFFFFFF0 ss:$0x1], $0xffff;
	v30 =	vmax.f32 v53, v27;
	v31 =	vmax.f32 v52, v51  }
0xbf: {  	s17 =	sshra.s32 s28, $0x2;
	v29 =	vld.idx.msk [tilespmem:v3+s1+$0xFFFFFFF0 ss:$0x1], $0xffff;
	v24 =	vmin.f32 v52, v51;
	v26 =	vmin.f32 v53, v27;
	v30 =	vmax.f32 v30, v31  }
0xc0: {  	s22 =	sand.u32 $0x60, s4;
	s28 =	sadd.s32 s21, s26;
	v13 =	vld [tilespmem:s1+$0x1BBA0];
	v24 =	vmin.f32 v26, v24;
	[tilespmem:v3+s17+$0xFFFFFFFF ss:$0x1] =	vst.idx.msk $0xffff, v30  }
0xc1: {  	s30 =	sadd.s32 s21, s25;
	s4 =	sadd.s32 s22, s28;
	[tilespmem:v4+s17+$0xFFFFFFFF ss:$0x1] =	vst.idx.msk $0xffff, v24  }
0xc2: {  	s3 =	sadd.s32 s21, s24;
	s5 =	sadd.s32 s22, s30;
	v54 =	vld [tilespmem:s4+$0x0]  }
0xc3: {  	s0 =	sadd.s32 s21, s23;
	s2 =	sadd.s32 s22, s3;
	v55 =	vld [tilespmem:s5+$0x0]  }
0xc4: {  	s4 =	sadd.s32 s22, s0;
	v32 =	vld [tilespmem:s2+$0x0]  }
0xc5: {  	v56 =	vld [tilespmem:s4+$0x0];
	_ =	sdelay $0x4  }
0xc6: {  	v33 =	vld [tilespmem:s17+$0x1BBB0];
	v34 =	vmax.f32 v55, v54;
	v36 =	vmax.f32 v56, v32  }
0xc7: {  	v35 =	vld.idx.msk [tilespmem:v4+s17+$0x0 ss:$0x1], $0xffff;
	v26 =	vmin.f32 v55, v54;
	v57 =	vmin.f32 v56, v32;
	v32 =	vmax.f32 v36, v34  }
0xc8: {  	v31 =	vld.idx.msk [tilespmem:v3+s17+$0x0 ss:$0x1], $0xffff;
	v26 =	vmin.f32 v57, v26;
	[tilespmem:v3+s17+$0xFFFFFFEF ss:$0x1] =	vst.idx.msk $0xffff, v32  }
0xc9: {  	[tilespmem:v4+s17+$0xFFFFFFEF ss:$0x1] =	vst.idx.msk $0xffff, v26  }
0xca: {  	s7 =	rddreg [dreg:$0xa];
	v58 =	vld [tilespmem:s8+$0x0]  }
0xcb: {  	v59 =	vld [tilespmem:s7+$0x0]  }
0xcc: {  	v60 =	vld [tilespmem:s6+$0x0];
	s8 =	rddreg [dreg:$0x8]  }
0xcd: {  	v37 =	vld [tilespmem:s8+$0x0];
	_ =	sdelay $0x4  }
0xce: {  	v38 =	vld.idx.msk [tilespmem:v4+s17+$0xFFFFFFF0 ss:$0x1], $0xffff;
	v41 =	vmax.f32 v59, v58;
	v40 =	vmax.f32 v60, v37  }
0xcf: {  	s9 =	sshra.s32 s19, $0x2;
	v39 =	vld.idx.msk [tilespmem:v3+s17+$0xFFFFFFF0 ss:$0x1], $0xffff;
	v27 =	vmin.f32 v59, v58;
	v36 =	vmin.f32 v60, v37;
	v40 =	vmax.f32 v40, v41  }
0xd0: {  	s11 =	sand.u32 $0x60, s20;
	s3 =	sadd.s32 s10, s26;
	v34 =	vld [tilespmem:s17+$0x1BBA0];
	v27 =	vmin.f32 v36, v27;
	[tilespmem:v3+s9+$0xFFFFFFFF ss:$0x1] =	vst.idx.msk $0xffff, v40  }
0xd1: {  	s13 =	sadd.s32 s10, s25;
	s3 =	sadd.s32 s11, s3;
	[tilespmem:v4+s9+$0xFFFFFFFF ss:$0x1] =	vst.idx.msk $0xffff, v27  }
0xd2: {  	s4 =	sadd.s32 s11, s13;
	s17 =	sadd.s32 s10, s24;
	v61 =	vld [tilespmem:s3+$0x0]  }
0xd3: {  	s15 =	sadd.s32 s10, s23;
	s2 =	sadd.s32 s11, s17;
	v62 =	vld [tilespmem:s4+$0x0]  }
0xd4: {  	s3 =	sadd.s32 s11, s15;
	v42 =	vld [tilespmem:s2+$0x0]  }
0xd5: {  	v63 =	vld [tilespmem:s3+$0x0]  }
0xd6: {  	v12 =	vsub.f32 v15, v12;
	_ =	sdelay $0x1  }
0xd7: {  	v12 =	vmax.f32 v12, $0.0e+00  }
0xd8: {  	v8 =	vmul.f32 v12, v8;
	v9 =	vmax.f32 v9, v19  }
0xd9: {  	v11 =	vmin.f32 v11, v18;
	v43 =	vld [tilespmem:s9+$0x1BBB0];
	v44 =	vmax.f32 v62, v61;
	v46 =	vmax.f32 v63, v42  }
0xda: {  	v45 =	vld.idx.msk [tilespmem:v4+s9+$0x0 ss:$0x1], $0xffff;
	v36 =	vmin.f32 v62, v61;
	v48 =	vmin.f32 v63, v42;
	v41 =	vmax.f32 v46, v44  }
0xdb: {  	v9 =	vsub.f32 v9, v11;
	v49 =	vld.idx.msk [tilespmem:v3+s9+$0x0 ss:$0x1], $0xffff;
	v15 =	vmin.f32 v48, v36;
	[tilespmem:v3+s9+$0xFFFFFFEF ss:$0x1] =	vst.idx.msk $0xffff, v41  }
0xdc: {  	v7 =	vmax.f32 v7, $0.0e+00;
	[tilespmem:v4+s9+$0xFFFFFFEF ss:$0x1] =	vst.idx.msk $0xffff, v15  }
0xdd: {  	v7 =	vadd.f32 v8, v7;
	v8 =	vmax.f32 v9, $0.0e+00;
	s19 =	rddreg [dreg:$0x7];
	v50 =	vld [tilespmem:s16+$0x0]  }
0xde: {  	v10 =	vmax.f32 v10, $0.0e+00;
	v8 =	vmul.f32 v8, v22;
	v51 =	vld [tilespmem:s19+$0x0]  }
0xdf: {  	v7 =	vperm.xlane v7, v2;
	v54 =	vmin.f32 v16, v25;
	v55 =	vmax.f32 v14, v20;
	v52 =	vld [tilespmem:s29+$0x0]  }
0xe0: {  	v8 =	vadd.f32 v8, v10;
	v9 =	vsub.f32 v55, v54;
	v53 =	vld [tilespmem:s18+$0x0]  }
0xe1: {  	v6 =	vmax.f32 v6, v7;
	v5 =	vmax.f32 v5, v7  }
0xe2: {  	v8 =	vperm.xlane v8, v2;
	v14 =	vsub.f32 v14, v16;
	v7 =	vmax.f32 v9, $0.0e+00  }
0xe3: {  	v7 =	vmul.f32 v7, v23  }
0xe4: {  	v5 =	vmax.f32 v5, v8;
	v14 =	vmax.f32 v14, $0.0e+00  }
0xe5: {  	v7 =	vadd.f32 v7, v14;
	v56 =	vld.idx.msk [tilespmem:v4+s9+$0xFFFFFFF0 ss:$0x1], $0xffff;
	v57 =	vmax.f32 v52, v53;
	v58 =	vmax.f32 v51, v50  }
0xe6: {  	s20 =	sshra.s32 s12, $0x2;
	v59 =	vld.idx.msk [tilespmem:v3+s9+$0xFFFFFFF0 ss:$0x1], $0xffff;
	v18 =	vmin.f32 v51, v50;
	v11 =	vmin.f32 v52, v53;
	v10 =	vmax.f32 v57, v58  }
0xe7: {  	s21 =	sand.u32 $0x60, s14;
	s22 =	sadd.s32 s31, s26;
	v7 =	vperm.xlane v7, v2;
	v60 =	vld [tilespmem:s9+$0x1BBA0];
	v11 =	vmin.f32 v11, v18;
	[tilespmem:v3+s20+$0xFFFFFFFF ss:$0x1] =	vst.idx.msk $0xffff, v10  }
0xe8: {  	s25 =	sadd.s32 s31, s25;
	v6 =	vmax.f32 v6, v8;
	v8 =	vmin.f32 v24, v35;
	s2 =	sadd.s32 s21, s22;
	[tilespmem:v4+s20+$0xFFFFFFFF ss:$0x1] =	vst.idx.msk $0xffff, v11  }
0xe9: {  	s28 =	sadd.s32 s31, s24;
	v35 =	vmax.f32 v32, v39;
	v6 =	vmax.f32 v6, v7;
	v5 =	vmax.f32 v5, v7;
	s3 =	sadd.s32 s21, s25;
	v63 =	vld [tilespmem:s2+$0x0]  }
0xea: {  	s1 =	sadd.s32 s21, s28;
	s26 =	sadd.s32 s31, s23;
	v61 =	vmax.f32 v21, v29;
	v62 =	vsub.f32 v21, v17;
	v17 =	vmin.f32 v17, v28;
	v25 =	vld [tilespmem:s3+$0x0]  }
0xeb: {  	v28 =	vsub.f32 v30, v24;
	v29 =	vmax.f32 v30, v31;
	v17 =	vsub.f32 v61, v17;
	s2 =	sadd.s32 s21, s26;
	v31 =	vld [tilespmem:s1+$0x0]  }
0xec: {  	v49 =	vmax.f32 v40, v49;
	v8 =	vsub.f32 v29, v8;
	v20 =	vmax.f32 v62, $0.0e+00;
	v30 =	vld [tilespmem:s2+$0x0]  }
0xed: {  	v36 =	vmin.f32 v26, v38;
	v48 =	vmin.f32 v27, v45;
	v17 =	vmax.f32 v17, $0.0e+00  }
0xee: {  	v37 =	vsub.f32 v35, v36;
	v8 =	vmax.f32 v8, $0.0e+00;
	v13 =	vmul.f32 v17, v13  }
0xef: {  	v19 =	vmax.f32 v28, $0.0e+00;
	v23 =	vsub.f32 v49, v48;
	v7 =	vmul.f32 v8, v33  }
0xf0: {  	v8 =	vsub.f32 v32, v26;
	v13 =	vadd.f32 v13, v20;
	v20 =	vmax.f32 v37, $0.0e+00  }
0xf1: {  	v7 =	vadd.f32 v7, v19;
	v44 =	vld [tilespmem:s20+$0x1BBB0];
	v39 =	vmax.f32 v25, v63;
	v46 =	vmax.f32 v30, v31  }
0xf2: {  	v47 =	vld.idx.msk [tilespmem:v4+s20+$0x0 ss:$0x1], $0xffff;
	v14 =	vmin.f32 v25, v63;
	v17 =	vmin.f32 v30, v31;
	v18 =	vmax.f32 v46, v39  }
0xf3: {  	v38 =	vmul.f32 v20, v34;
	v50 =	vld.idx.msk [tilespmem:v3+s20+$0x0 ss:$0x1], $0xffff;
	v14 =	vmin.f32 v17, v14;
	[tilespmem:v3+s20+$0xFFFFFFEF ss:$0x1] =	vst.idx.msk $0xffff, v18  }
0xf4: {  	v55 =	vsub.f32 v41, v15;
	v8 =	vmax.f32 v8, $0.0e+00;
	v13 =	vperm.xlane v13, v2;
	[tilespmem:v4+s20+$0xFFFFFFEF ss:$0x1] =	vst.idx.msk $0xffff, v14  }
0xf5: {  	v7 =	vperm.xlane v7, v2;
	v8 =	vadd.f32 v38, v8;
	v51 =	vsub.f32 v40, v27;
	v4 =	vld.idx.msk [tilespmem:v4+s20+$0xFFFFFFF0 ss:$0x1], $0xffff  }
0xf6: {  	v52 =	vmax.f32 v23, $0.0e+00;
	v5 =	vmax.f32 v5, v13;
	v6 =	vmax.f32 v6, v13;
	v3 =	vld.idx.msk [tilespmem:v3+s20+$0xFFFFFFF0 ss:$0x1], $0xffff  }
0xf7: {  	v54 =	vmax.f32 v41, v59;
	v9 =	vmin.f32 v15, v56;
	v59 =	vmax.f32 v55, $0.0e+00  }
0xf8: {  	v19 =	vmul.f32 v52, v43;
	v8 =	vperm.xlane v8, v2;
	v5 =	vmax.f32 v5, v7  }
0xf9: {  	v6 =	vmax.f32 v6, v7;
	v9 =	vsub.f32 v54, v9;
	v53 =	vmax.f32 v51, $0.0e+00  }
0xfa: {  	v7 =	vadd.f32 v19, v53;
	v57 =	vmin.f32 v11, v47;
	v58 =	vmax.f32 v10, v50;
	v56 =	vld [tilespmem:s20+$0x1BBA0]  }
0xfb: {  	v13 =	vsub.f32 v58, v57;
	v3 =	vmax.f32 v18, v3;
	v4 =	vmin.f32 v14, v4  }
0xfc: {  	v5 =	vmax.f32 v5, v8;
	v9 =	vmax.f32 v9, $0.0e+00;
	v3 =	vsub.f32 v3, v4  }
0xfd: {  	v10 =	vsub.f32 v10, v11;
	v4 =	vmul.f32 v9, v60;
	v60 =	vmax.f32 v13, $0.0e+00  }
0xfe: {  	s29 =	rddreg [dreg:$0x17];
	v61 =	vsub.f32 v18, v14;
	v11 =	vmul.f32 v60, v44;
	v3 =	vmax.f32 v3, $0.0e+00  }
0xff: {  	s2 =	sadd.s32 $0x1, s29;
	v62 =	vmax.f32 v10, $0.0e+00;
	v4 =	vadd.f32 v4, v59;
	v3 =	vmul.f32 v3, v56  }
0x100: {  	v7 =	vperm.xlane v7, v2;
	p0 =	sne.s32 s2, $0xF;
	v63 =	vmax.f32 v61, $0.0e+00;
	v9 =	vadd.f32 v11, v62  }
.Ltmp1:
0x101: {  	v6 =	vmax.f32 v6, v8;
	v4 =	vperm.xlane v4, v2;
	v3 =	vadd.f32 v3, v63;
	(pc) =	sbr.rel @p0 .LBB2_2-.Ltmp1, $4  }
0x102: {  	v6 =	vmax.f32 v6, v7;
	v5 =	vmax.f32 v5, v7;
	v7 =	vperm.xlane v9, v2  }
0x103: {  	s30 =	rddreg [dreg:$0x15];
	v5 =	vmax.f32 v5, v4;
	v4 =	vmax.f32 v6, v4;
	v3 =	vperm.xlane v3, v2  }
0x104: {  	s31 =	rddreg [dreg:$0x16];
	v4 =	vmax.f32 v4, v7;
	v5 =	vmax.f32 v5, v7  }
0x105: {  	s8 =	sadd.s32 $0x356, s30;
	s9 =	sadd.s32 $0x356, s31;
	v6 =	vmax.f32 v5, v3;
	v5 =	vmax.f32 v4, v3  }
0x106: {  	s0 =	simm.s32 $0x0  }
0x107: {  	s1 =	simm.s32 $0x156BD;
	s2 =	simm.s32 $0x185E6;
	s8 =	simm.s32 $0x0  }
.LBB2_6:
0x108: {  	v4 =	vmov s1  }
0x109: {  	v3 =	vmov s2;
	_ =	sdelay $0x1  }
0x10a: {  	s4 =	simm.s32 $0x0  }
0x10b: {  	v19 =	vld [tilespmem:s4+$0x1B510]  }
0x10c: {  	v7 =	vld.idx.msk [tilespmem:v4+s4+$0xFFFFFCA9 ss:$0x1], $0xffff  }
0x10d: {  	v9 =	vld.idx.msk [tilespmem:v3+s4+$0x0 ss:$0x1], $0xffff  }
0x10e: {  	v8 =	vld.idx.msk [tilespmem:v4+s4+$0xFFFFFFFF ss:$0x1], $0xffff  }
0x10f: {  	v10 =	vld.idx.msk [tilespmem:v3+s4+$0x356 ss:$0x1], $0xffff  }
0x110: {  	v11 =	vld.idx.msk [tilespmem:v4+s4+$0x0 ss:$0x1], $0xffff  }
0x111: {  	v12 =	vld.idx.msk [tilespmem:v4+s4+$0xFFFFFC99 ss:$0x1], $0xffff  }
0x112: {  	v13 =	vld.idx.msk [tilespmem:v3+s4+$0xFFFFFFF0 ss:$0x1], $0xffff  }
0x113: {  	v14 =	vld.idx.msk [tilespmem:v4+s4+$0xFFFFFFEF ss:$0x1], $0xffff  }
0x114: {  	v15 =	vld.idx.msk [tilespmem:v3+s4+$0x346 ss:$0x1], $0xffff  }
0x115: {  	v16 =	vld.idx.msk [tilespmem:v4+s4+$0xFFFFFFF0 ss:$0x1], $0xffff  }
0x116: {  	v17 =	vld.idx.msk [tilespmem:v3+s4+$0x347 ss:$0x1], $0xffff  }
0x117: {  	v18 =	vld.idx.msk [tilespmem:v3+s4+$0x357 ss:$0x1], $0xffff  }
0x118: {  	v20 =	vld [tilespmem:s4+$0x1B890]  }
0x119: {  	v21 =	vld [tilespmem:s4+$0x1B500];
	v22 =	vmax.f32 v7, v8;
	v10 =	vmin.f32 v9, v10  }
0x11a: {  	s3 =	simm.s32 $0x20;
	v23 =	vld [tilespmem:s4+$0x1B880];
	v14 =	vmax.f32 v12, v14;
	v15 =	vmin.f32 v13, v15;
	v24 =	vmax.f32 v7, v11  }
0x11b: {  	v8 =	vld.idx.msk [tilespmem:v4+s3+$0xFFFFFCA9 ss:$0x1], $0xffff;
	v11 =	vmax.f32 v12, v16;
	v12 =	vmin.f32 v13, v17;
	v10 =	vsub.f32 v22, v10  }
0x11c: {  	v7 =	vld.idx.msk [tilespmem:v3+s3+$0x0 ss:$0x1], $0xffff;
	v9 =	vmin.f32 v9, v18;
	v13 =	vsub.f32 v14, v15;
	v12 =	vsub.f32 v11, v12  }
0x11d: {  	v11 =	vld.idx.msk [tilespmem:v4+s3+$0xFFFFFFFF ss:$0x1], $0xffff;
	v14 =	vsub.f32 v24, v9  }
0x11e: {  	v9 =	vld.idx.msk [tilespmem:v3+s3+$0x356 ss:$0x1], $0xffff;
	v13 =	vmax.f32 v13, $0.0e+00;
	v15 =	vmax.f32 v12, $0.0e+00;
	v10 =	vmax.f32 v10, $0.0e+00  }
0x11f: {  	v12 =	vld.idx.msk [tilespmem:v4+s3+$0x0 ss:$0x1], $0xffff;
	v14 =	vmax.f32 v14, $0.0e+00;
	v16 =	vmul.f32 v13, v21;
	v15 =	vmul.f32 v15, v23  }
0x120: {  	v13 =	vld.idx.msk [tilespmem:v4+s3+$0xFFFFFC99 ss:$0x1], $0xffff;
	v10 =	vmul.f32 v10, v19;
	v17 =	vmul.f32 v14, v20  }
0x121: {  	v14 =	vld.idx.msk [tilespmem:v3+s3+$0xFFFFFFF0 ss:$0x1], $0xffff;
	v18 =	vadd.f32 v15, v16  }
0x122: {  	v15 =	vld.idx.msk [tilespmem:v4+s3+$0xFFFFFFEF ss:$0x1], $0xffff;
	v10 =	vadd.f32 v17, v10  }
0x123: {  	v16 =	vld.idx.msk [tilespmem:v3+s3+$0x346 ss:$0x1], $0xffff;
	v18 =	vperm.xlane v18, v2  }
0x124: {  	s5 =	simm.s32 $0x100;
	s4 =	smul.u32 $0xA02, s0;
	v17 =	vld.idx.msk [tilespmem:v4+s3+$0xFFFFFFF0 ss:$0x1], $0xffff;
	v10 =	vperm.xlane v10, v2  }
.LBB2_7:
0x125: {  	p0 =	sne.s32 s5, $0xC80;
	v19 =	vld.idx.msk [tilespmem:v3+s3+$0x347 ss:$0x1], $0xffff;
	v6 =	vmax.f32 v6, v18;
	v5 =	vmax.f32 v5, v18  }
0x126: {  	v18 =	vld.idx.msk [tilespmem:v3+s3+$0x357 ss:$0x1], $0xffff;
	v6 =	vmax.f32 v6, v10;
	v5 =	vmax.f32 v5, v10  }
0x127: {  	v10 =	vld [tilespmem:s3+$0x1B510]  }
0x128: {  	v20 =	vld [tilespmem:s3+$0x1B890]  }
0x129: {  	v11 =	vmax.f32 v8, v11;
	v9 =	vmin.f32 v7, v9;
	v21 =	vld [tilespmem:s3+$0x1B500]  }
0x12a: {  	v12 =	vmax.f32 v8, v12;
	v15 =	vmax.f32 v13, v15;
	v16 =	vmin.f32 v14, v16;
	v22 =	vld [tilespmem:s3+$0x1B880];
	s3 =	sshra.s32 s5, $0x2  }
0x12b: {  	v13 =	vmax.f32 v13, v17;
	v17 =	vsub.f32 v11, v9;
	v14 =	vmin.f32 v14, v19;
	v8 =	vld.idx.msk [tilespmem:v4+s3+$0xFFFFFCA9 ss:$0x1], $0xffff  }
0x12c: {  	v15 =	vsub.f32 v15, v16;
	v13 =	vsub.f32 v13, v14;
	v9 =	vmin.f32 v7, v18;
	v7 =	vld.idx.msk [tilespmem:v3+s3+$0x0 ss:$0x1], $0xffff  }
0x12d: {  	v14 =	vsub.f32 v12, v9;
	v11 =	vld.idx.msk [tilespmem:v4+s3+$0xFFFFFFFF ss:$0x1], $0xffff  }
0x12e: {  	v15 =	vmax.f32 v15, $0.0e+00;
	v16 =	vmax.f32 v17, $0.0e+00;
	v13 =	vmax.f32 v13, $0.0e+00;
	v9 =	vld.idx.msk [tilespmem:v3+s3+$0x356 ss:$0x1], $0xffff  }
0x12f: {  	v15 =	vmul.f32 v15, v21;
	v14 =	vmax.f32 v14, $0.0e+00;
	v12 =	vld.idx.msk [tilespmem:v4+s3+$0x0 ss:$0x1], $0xffff;
	v17 =	vmul.f32 v13, v22  }
.Ltmp2:
0x130: {  	v10 =	vmul.f32 v16, v10;
	v16 =	vmul.f32 v14, v20;
	v13 =	vld.idx.msk [tilespmem:v4+s3+$0xFFFFFC99 ss:$0x1], $0xffff;
	(pc) =	sbr.rel @p0 .LBB2_7-.Ltmp2, $4  }
0x131: {  	v14 =	vld.idx.msk [tilespmem:v3+s3+$0xFFFFFFF0 ss:$0x1], $0xffff;
	v17 =	vadd.f32 v17, v15  }
0x132: {  	v10 =	vadd.f32 v16, v10;
	v15 =	vld.idx.msk [tilespmem:v4+s3+$0xFFFFFFEF ss:$0x1], $0xffff  }
0x133: {  	v16 =	vld.idx.msk [tilespmem:v3+s3+$0x346 ss:$0x1], $0xffff;
	v18 =	vperm.xlane v17, v2  }
0x134: {  	s5 =	sadd.s32 $0x80, s5;
	v10 =	vperm.xlane v10, v2;
	v17 =	vld.idx.msk [tilespmem:v4+s3+$0xFFFFFFF0 ss:$0x1], $0xffff  }
0x135: {  	_ =	sdelay $0x3  }
0x136: {  	v4 =	vld.idx.msk [tilespmem:v3+s3+$0x347 ss:$0x1], $0xffff  }
0x137: {  	v3 =	vld.idx.msk [tilespmem:v3+s3+$0x357 ss:$0x1], $0xffff  }
0x138: {  	v19 =	vld [tilespmem:s3+$0x1B510]  }
0x139: {  	v20 =	vld [tilespmem:s3+$0x1B890]  }
0x13a: {  	v23 =	vld [tilespmem:s4+$0x1568C]  }
0x13b: {  	v24 =	vld [tilespmem:s4+$0x1890C]  }
0x13c: {  	v25 =	vld [tilespmem:s4+$0x159E2]  }
0x13d: {  	v26 =	vld [tilespmem:s4+$0x18C62]  }
0x13e: {  	v27 =	vld [tilespmem:s4+$0x159E3]  }
0x13f: {  	v28 =	vld [tilespmem:s4+$0x18C63]  }
0x140: {  	v45 =	vld [tilespmem:s4+$0x1569C]  }
0x141: {  	v47 =	vld [tilespmem:s4+$0x1891C]  }
0x142: {  	v11 =	vmax.f32 v8, v11;
	v9 =	vmin.f32 v7, v9;
	v49 =	vld [tilespmem:s4+$0x159F2]  }
0x143: {  	v8 =	vmax.f32 v8, v12;
	v6 =	vmax.f32 v6, v18;
	v50 =	vld [tilespmem:s4+$0x159F3];
	v9 =	vsub.f32 v11, v9  }
0x144: {  	v5 =	vmax.f32 v5, v18;
	v51 =	vld [tilespmem:s4+$0x18C73];
	v15 =	vmax.f32 v13, v15;
	v16 =	vmin.f32 v14, v16  }
0x145: {  	v21 =	vld [tilespmem:s3+$0x1B500];
	v9 =	vmax.f32 v9, $0.0e+00;
	v46 =	vmax.f32 v13, v17;
	v48 =	vsub.f32 v15, v16  }
0x146: {  	v22 =	vld [tilespmem:s3+$0x1B880];
	v4 =	vmin.f32 v14, v4;
	v3 =	vmin.f32 v7, v3;
	v9 =	vmul.f32 v9, v19  }
0x147: {  	v7 =	vld [tilespmem:s4+$0x18C72];
	v54 =	vmax.f32 v23, v25;
	v55 =	vmax.f32 v23, v27;
	v56 =	vmin.f32 v24, v26  }
0x148: {  	v52 =	vld [tilespmem:$0x1B836];
	v57 =	vmin.f32 v24, v28;
	v15 =	vmax.f32 v45, v49;
	v11 =	vmax.f32 v45, v50  }
0x149: {  	v53 =	vld [tilespmem:$0x1BBB6];
	v60 =	vmin.f32 v47, v51;
	v4 =	vsub.f32 v46, v4;
	v3 =	vsub.f32 v8, v3  }
0x14a: {  	v58 =	vld [tilespmem:$0x1B846];
	v8 =	vmax.f32 v48, $0.0e+00;
	v18 =	vsub.f32 v54, v56;
	v19 =	vsub.f32 v55, v57  }
0x14b: {  	v59 =	vld [tilespmem:$0x1BBC6];
	v11 =	vsub.f32 v11, v60;
	v8 =	vmul.f32 v8, v21;
	v4 =	vmax.f32 v4, $0.0e+00  }
0x14c: {  	v3 =	vmax.f32 v3, $0.0e+00;
	v61 =	vmax.f32 v18, $0.0e+00;
	v7 =	vmin.f32 v47, v7  }
0x14d: {  	v62 =	vmax.f32 v19, $0.0e+00;
	v4 =	vmul.f32 v4, v22;
	v7 =	vsub.f32 v15, v7  }
0x14e: {  	v11 =	vmax.f32 v11, $0.0e+00;
	v3 =	vmul.f32 v3, v20;
	v12 =	vmul.f32 v62, v53  }
0x14f: {  	v4 =	vadd.f32 v4, v8;
	v8 =	vmul.f32 v61, v52;
	v7 =	vmax.f32 v7, $0.0e+00  }
0x150: {  	s0 =	sadd.s32 $0x1, s0;
	v63 =	vmul.f32 v11, v59;
	v3 =	vadd.f32 v3, v9;
	v7 =	vmul.f32 v7, v58  }
0x151: {  	v6 =	vmax.f32 v6, v10;
	p0 =	sne.s32 s0, $0x5;
	v4 =	vperm.xlane v4, v2;
	v8 =	vadd.f32 v12, v8  }
.Ltmp3:
0x152: {  	v5 =	vmax.f32 v5, v10;
	v3 =	vperm.xlane v3, v2;
	v7 =	vadd.f32 v63, v7;
	(pc) =	sbr.rel @p0 .LBB2_6-.Ltmp3, $4  }
0x153: {  	v6 =	vmax.f32 v6, v4;
	v4 =	vmax.f32 v5, v4;
	v5 =	vperm.xlane v8, v2  }
0x154: {  	v6 =	vmax.f32 v6, v3;
	v3 =	vmax.f32 v4, v3;
	v4 =	vperm.xlane v7, v2  }
0x155: {  	v6 =	vmax.f32 v6, v5;
	v3 =	vmax.f32 v3, v5  }
0x156: {  	s1 =	sadd.s32 $0xA02, s1;
	s2 =	sadd.s32 $0xA02, s2;
	v6 =	vmax.f32 v6, v4;
	v5 =	vmax.f32 v3, v4  }
0x157: {  	v3 =	vperm.xlane v6, v1;
	v4 =	vperm.xlane v5, v1;
	_ =	sdelay $0x1  }
0x158: {  	v3 =	vsel vm0, v3, v4  }
0x159: {  	s0 =	rddreg [dreg:$0x12];
	s1 =	simm.s32 $0x1BC00;
	s30 =	simm.s32 $0x2;
	[tilespmem:$0x1BC00] =	vst v3  }
0x15a: {  	[hbm4b:s0+s8] =	stream.linear.scatter [tilespmem:s1], [sflag:$0x2], $0x10, $0x38;
	[tilespmem:$0x1BC80] =	vst v63  }
0x15b: {  	_ =	swait.ge [sflag:s30], $0x10  }
0x15c: {  	s2 =	rddreg [dreg:$0x14]  }
0x15d: {  	s31 =	rddreg [dreg:$0x13];
	s2 =	sadd.s32 $0x1, s2  }
0x15e: {  	p0 =	sne.s32 s2, s31  }
.Ltmp4:
0x15f: {  	_ = 	snop;
	(pc) =	sbr.rel @p0 .LBB2_1-.Ltmp4, $3  }
0x160: {  	_ =	sdelay $0x1  }
0x161: {  	[sflag:s30] =	ssyncset.done $0x0  }
0x162: {  	[sflag:s30] =	ssyncadd.s32 $0xFFFFFFF0  }
0x163: {  	_ =	sfence.sel $0x180000  }
0x164: {  	[bflag:$0x0] =	sbarrier.arrive $0xFFFF  }
0x165: {  	_ =	strace $0x90000047  }
0x166: {  	s0 =	stileid.u32;
	[bflag:$0x2] =	sbarrier.arrive $0xFFFF  }
0x167: {  	p0 =	sne.s32 s0, $0x0;
	s0 =	rddreg [dreg:$0x2]  }
0x168: {  	s0 =	sadd.s32 @!p0 $0x100000, s0  }
0x169: {  	[sflag:s0] =	ssyncadd.tile.s32 @!p0 $0x1;
	_ =	shalt  }
.Lfunc_end2:
_tile_overlayer_lowered:
.L_overlay_start_2:
0x16a: {  	(tag) =	ssettag $0x2  }
0x16b: {  	s0 =	rddreg [dreg:$0x0];
	s2 =	stileid.u32  }
0x16c: {  	s1 =	rddreg [dreg:$0x1];
	p0 =	sne.s32 s2, $0x0  }
0x16d: {  	s3 =	rddreg [dreg:$0x2];
	[bflag:$0x3] =	sbarrier.arrive $0xFFFF;
	s2 =	simm.s32 @!p0 $0x1C02  }
0x16e: {  	[timem:s3], [sflag:s2] =	dma.local @!p0 [hbm:s0], s1  }
0x16f: {  	s0 =	simm.s32 @!p0 $0x2  }
0x170: {  	_ =	swait.ge @!p0 [sflag:s0], s1  }
0x171: {  	s1 =	ssub.s32 @!p0 $0x0, s1;
	[sflag:s0] =	ssyncset.done @!p0 $0x0  }
0x172: {  	[sflag:s0] =	ssyncadd.s32 @!p0 s1  }
0x173: {  	[bflag:$0x3] =	sbarrier.arrive $0xFFFF  }
0x174: {  	_ =	shalt  }

</sc_bundles>
